<compile_context>
chip_gen: v7x
topology: tpu7x:2x2x1
jax: 0.10.2.dev20260603
libtpu: 0.0.44.dev20260713+nightly
codegen_flags: <defaults>
</compile_context>

<pallas_src>
import jax
import jax.numpy as jnp
from jax import lax
from jax.experimental import pallas as pl
from jax.experimental.pallas import tpu as pltpu
from jax.experimental.pallas import tpu_sc as plsc

B = 16384
EMB = 32
NC = 2
NS = 16
L = 16
NW = NC * NS
BPW = B // NW
G = BPW // L
BW = 16


def _sc_body(users_hbm, items_hbm, ut_hbm, it_hbm, bt_hbm, out_hbm,
             uidx_v, iidx_v, gidx_v, urows_v, irows_v, brows_v, out_v, sem):
    wid = lax.axis_index("s") * NC + lax.axis_index("c")
    base = wid * BPW

    pltpu.sync_copy(users_hbm.at[pl.ds(base, BPW)], uidx_v)
    pltpu.sync_copy(items_hbm.at[pl.ds(base, BPW)], iidx_v)

    cp_u = pltpu.async_copy(ut_hbm.at[uidx_v], urows_v, sem)
    cp_i = pltpu.async_copy(it_hbm.at[iidx_v], irows_v, sem)

    def shift_chunk(g, carry):
        gidx_v[pl.ds(g * L, L)] = lax.shift_right_logical(
            iidx_v[pl.ds(g * L, L)], 4)
        return carry

    lax.fori_loop(0, G, shift_chunk, 0)

    cp_b = pltpu.async_copy(bt_hbm.at[gidx_v], brows_v, sem)
    cp_u.wait()
    cp_i.wait()
    cp_b.wait()

    lanes = lax.iota(jnp.int32, 16)
    low_mask = jnp.full((L,), BW - 1, jnp.int32)

    def group(g, carry):
        rows = g * L + lanes
        acc = jnp.zeros((L,), jnp.float32)
        for d in range(EMB):
            col = jnp.full((L,), d, jnp.int32)
            uv = plsc.load_gather(urows_v, [rows, col])
            iv = plsc.load_gather(irows_v, [rows, col])
            acc = acc + uv * iv
        bcol = iidx_v[pl.ds(g * L, L)] & low_mask
        bv = plsc.load_gather(brows_v, [rows, bcol])
        out_v[pl.ds(g * L, L)] = acc + bv
        return carry

    lax.fori_loop(0, G, group, 0)

    pltpu.sync_copy(out_v, out_hbm.at[pl.ds(base, BPW)])


def kernel(users, items, user_table, item_table, bias_table):
    n_items = bias_table.shape[0]
    mesh = plsc.VectorSubcoreMesh(core_axis_name="c", subcore_axis_name="s")
    f = pl.kernel(
        _sc_body,
        out_type=jax.ShapeDtypeStruct((B,), jnp.float32),
        mesh=mesh,
        compiler_params=pltpu.CompilerParams(
            needs_layout_passes=False, use_tc_tiling_on_sc=False),
        scratch_types=[
            pltpu.VMEM((BPW,), jnp.int32),
            pltpu.VMEM((BPW,), jnp.int32),
            pltpu.VMEM((BPW,), jnp.int32),
            pltpu.VMEM((BPW, EMB), jnp.float32),
            pltpu.VMEM((BPW, EMB), jnp.float32),
            pltpu.VMEM((BPW, BW), jnp.float32),
            pltpu.VMEM((BPW,), jnp.float32),
            pltpu.SemaphoreType.DMA,
        ],
    )
    bias2d = jnp.reshape(bias_table, (n_items // BW, BW))
    return f(users.astype(jnp.int32), items.astype(jnp.int32),
             user_table, item_table, bias2d)

# --- scband reference (transcript-rebuilt; emitter-appended) ---
"""Pipeline reference for scband-recommender-network-10746008174964 (READ-ONLY COPY).

The authoritative reference and input builder live on the scoring server;
editing this copy changes nothing except your own understanding.
"""

import jax, jax.numpy as jnp
import numpy as np

N_USERS = 1000000
N_ITEMS = 100000
EMB = 32
BATCH = 16384

def setup_inputs(seed: int = 0) -> dict:
    key = jax.random.key(seed)
    k1, k2, k3, k4, k5 = jax.random.split(key, 5)
    users = jax.random.randint(k1, (BATCH,), 0, N_USERS, dtype=jnp.int64 if jax.config.jax_enable_x64 else jnp.int32)
    items = jax.random.randint(k2, (BATCH,), 0, N_ITEMS, dtype=jnp.int64 if jax.config.jax_enable_x64 else jnp.int32)
    user_table = jax.random.normal(k3, (N_USERS, EMB), dtype=jnp.float32) * 0.05
    item_table = jax.random.normal(k4, (N_ITEMS, EMB), dtype=jnp.float32) * 0.05
    bias_table = jax.random.normal(k5, (N_ITEMS, 1), dtype=jnp.float32) * 0.05
    return {"users": users, "items": items, "user_table": user_table, "item_table": item_table, "bias_table": bias_table}

def reference(users, items, user_table, item_table, bias_table):
    # user_embedding = self.user_emb(users)
    user_embedding = jnp.take(user_table, users, axis=0)
    # item_embedding = self.item_emb(items)
    item_embedding = jnp.take(item_table, items, axis=0)
    # bias = self.bias(items)  -> shape [B, 1]
    bias = jnp.take(bias_table, items, axis=0)
    # out = reduce_sum(user_embedding * item_embedding, axis=1)
    out = jnp.sum(user_embedding * item_embedding, axis=1)
    # out = out + reshape(bias, out.shape)
    out = out + jnp.reshape(bias, out.shape)
    return out

if __name__ == "__main__":
    import jax
    _d = setup_inputs()
    print(jax.jit(kernel)(*tuple(_d.values())))

</pallas_src>

<mosaic_0001>
#map = affine_map<(d0, d1) -> (0)>
#map1 = affine_map<(d0, d1) -> (0, 0)>
module attributes {stable_mosaic.version = 14 : i64} {
  func.func @_sc_body(%arg0: i32, %arg1: i32, %arg2: memref<16384xi32, #tpu.memory_space<hbm>>, %arg3: memref<16384xi32, #tpu.memory_space<hbm>>, %arg4: memref<1000000x32xf32, #tpu.memory_space<hbm>>, %arg5: memref<100000x32xf32, #tpu.memory_space<hbm>>, %arg6: memref<6250x16xf32, #tpu.memory_space<hbm>>, %arg7: memref<16384xf32, #tpu.memory_space<hbm>>, %arg8: memref<512xi32, #tpu.memory_space<vmem>>, %arg9: memref<512xi32, #tpu.memory_space<vmem>>, %arg10: memref<512xi32, #tpu.memory_space<vmem>>, %arg11: memref<512x32xf32, #tpu.memory_space<vmem>>, %arg12: memref<512x32xf32, #tpu.memory_space<vmem>>, %arg13: memref<512x16xf32, #tpu.memory_space<vmem>>, %arg14: memref<512xf32, #tpu.memory_space<vmem>>, %arg15: memref<!tpu.dma_semaphore, #tpu.memory_space<semaphore_mem>>) attributes {dimension_semantics = [#tpu.dimension_semantics<core_parallel>, #tpu.dimension_semantics<subcore_parallel>], iteration_bounds = array<i64: 2, 16>, scalar_prefetch = 0 : i64, scratch_operands = 8 : i64, tpu.core_type = #tpu.core_type<sc_vector_subcore>, window_params = [{transform_indices = #map}, {transform_indices = #map}, {transform_indices = #map1}, {transform_indices = #map1}, {transform_indices = #map1}, {transform_indices = #map}]} {
    %mul3A = arith.constant 2 : i32
    %mul3A_0 = arith.muli %arg1, %mul3A : i32
    %add3A = arith.addi %mul3A_0, %arg0 : i32
    %mul3A_1 = arith.constant 512 : i32
    %mul3A_2 = arith.muli %add3A, %mul3A_1 : i32
    "tpu.region"() ({
      %run_scoped3A = tpu.sem_alloc : memref<!tpu.dma_semaphore, #tpu.memory_space<semaphore_mem>>
      %dma_start3A_31 = tpu.memref_slice %arg2[%mul3A_2] : memref<16384xi32, #tpu.memory_space<hbm>> -> memref<512xi32, #tpu.memory_space<hbm>>
      %dma_start3A_32 = tpu.memref_slice %arg2[%mul3A_2] : memref<16384xi32, #tpu.memory_space<hbm>> -> memref<512xi32, #tpu.memory_space<hbm>>
      tpu.enqueue_dma source(%dma_start3A_32 : memref<512xi32, #tpu.memory_space<hbm>>) target(%arg8 : memref<512xi32, #tpu.memory_space<vmem>>) target_semaphore(%run_scoped3A : memref<!tpu.dma_semaphore, #tpu.memory_space<semaphore_mem>>)
      %dma_wait3A_33 = tpu.memref_slice %arg2[%mul3A_2] : memref<16384xi32, #tpu.memory_space<hbm>> -> memref<512xi32, #tpu.memory_space<hbm>>
      %dma_wait3A_34 = tpu.memref_slice %arg2[%mul3A_2] : memref<16384xi32, #tpu.memory_space<hbm>> -> memref<512xi32, #tpu.memory_space<hbm>>
      tpu.wait_dma2 semaphore(%run_scoped3A : memref<!tpu.dma_semaphore, #tpu.memory_space<semaphore_mem>>) src(%dma_wait3A_34 : memref<512xi32, #tpu.memory_space<hbm>>) dst(%arg8 : memref<512xi32, #tpu.memory_space<vmem>>)
      tpu.yield
    }) : () -> ()
    "tpu.region"() ({
      %run_scoped3A = tpu.sem_alloc : memref<!tpu.dma_semaphore, #tpu.memory_space<semaphore_mem>>
      %dma_start3A_31 = tpu.memref_slice %arg3[%mul3A_2] : memref<16384xi32, #tpu.memory_space<hbm>> -> memref<512xi32, #tpu.memory_space<hbm>>
      %dma_start3A_32 = tpu.memref_slice %arg3[%mul3A_2] : memref<16384xi32, #tpu.memory_space<hbm>> -> memref<512xi32, #tpu.memory_space<hbm>>
      tpu.enqueue_dma source(%dma_start3A_32 : memref<512xi32, #tpu.memory_space<hbm>>) target(%arg9 : memref<512xi32, #tpu.memory_space<vmem>>) target_semaphore(%run_scoped3A : memref<!tpu.dma_semaphore, #tpu.memory_space<semaphore_mem>>)
      %dma_wait3A_33 = tpu.memref_slice %arg3[%mul3A_2] : memref<16384xi32, #tpu.memory_space<hbm>> -> memref<512xi32, #tpu.memory_space<hbm>>
      %dma_wait3A_34 = tpu.memref_slice %arg3[%mul3A_2] : memref<16384xi32, #tpu.memory_space<hbm>> -> memref<512xi32, #tpu.memory_space<hbm>>
      tpu.wait_dma2 semaphore(%run_scoped3A : memref<!tpu.dma_semaphore, #tpu.memory_space<semaphore_mem>>) src(%dma_wait3A_34 : memref<512xi32, #tpu.memory_space<hbm>>) dst(%arg9 : memref<512xi32, #tpu.memory_space<vmem>>)
      tpu.yield
    }) : () -> ()
    %dma_start3A = arith.constant 0 : i32
    %dma_start3A_3 = arith.constant 0 : i32
    %dma_start3A_4 = tpu.memref_slice %arg4[%dma_start3A, %dma_start3A_3] : memref<1000000x32xf32, #tpu.memory_space<hbm>> -> memref<1000000x32xf32, #tpu.memory_space<hbm>>
    tpu.enqueue_indirect_dma source(%dma_start3A_4 : memref<1000000x32xf32, #tpu.memory_space<hbm>>) target(%arg11 : memref<512x32xf32, #tpu.memory_space<vmem>>) offsets(%arg8 : memref<512xi32, #tpu.memory_space<vmem>>) semaphore(%arg15 : memref<!tpu.dma_semaphore, #tpu.memory_space<semaphore_mem>>)
    %dma_start3A_5 = arith.constant 0 : i32
    %dma_start3A_6 = arith.constant 0 : i32
    %dma_start3A_7 = tpu.memref_slice %arg5[%dma_start3A_5, %dma_start3A_6] : memref<100000x32xf32, #tpu.memory_space<hbm>> -> memref<100000x32xf32, #tpu.memory_space<hbm>>
    tpu.enqueue_indirect_dma source(%dma_start3A_7 : memref<100000x32xf32, #tpu.memory_space<hbm>>) target(%arg12 : memref<512x32xf32, #tpu.memory_space<vmem>>) offsets(%arg9 : memref<512xi32, #tpu.memory_space<vmem>>) semaphore(%arg15 : memref<!tpu.dma_semaphore, #tpu.memory_space<semaphore_mem>>)
    %scan3A = arith.constant 0 : i32
    %scan3A_8 = arith.constant 0 : i32
    %scan3A_9 = arith.constant 32 : i32
    %scan3A_10 = arith.addi %scan3A_8, %scan3A_9 : i32
    %scan3A_11 = arith.constant 1 : i32
    scf.for %scan3A_31 = %scan3A_8 to %scan3A_10 step %scan3A_11  : i32 {
      %mul3A_32 = arith.constant 16 : i32
      %mul3A_33 = arith.muli %scan3A_31, %mul3A_32 : i32
      %get3A = arith.index_cast %mul3A_33 : i32 to index
      %get3A_34 = tpu.vector_load %arg9[%get3A] {strides = array<i32>} : memref<512xi32, #tpu.memory_space<vmem>>, vector<16xi32>,
      %shift_right_logical3A = arith.constant 4 : i32
      %shift_right_logical3A_35 = vector.broadcast %shift_right_logical3A : i32 to vector<16xi32>
      %shift_right_logical3A_36 = arith.shrui %get3A_34, %shift_right_logical3A_35 : vector<16xi32>
      %mul3A_37 = arith.constant 16 : i32
      %mul3A_38 = arith.muli %scan3A_31, %mul3A_37 : i32
      %swap3A = arith.index_cast %mul3A_38 : i32 to index
      %swap3A_39 = tpu.vector_load %arg10[%swap3A] {strides = array<i32>} : memref<512xi32, #tpu.memory_space<vmem>>, vector<16xi32>,
      tpu.vector_store %arg10[%swap3A], %shift_right_logical3A_36 {strides = array<i32>} : memref<512xi32, #tpu.memory_space<vmem>>, vector<16xi32>,
    }
    %scan3A_12 = arith.constant 32 : i32
    %dma_start3A_13 = arith.constant 0 : i32
    %dma_start3A_14 = arith.constant 0 : i32
    %dma_start3A_15 = tpu.memref_slice %arg6[%dma_start3A_13, %dma_start3A_14] : memref<6250x16xf32, #tpu.memory_space<hbm>> -> memref<6250x16xf32, #tpu.memory_space<hbm>>
    tpu.enqueue_indirect_dma source(%dma_start3A_15 : memref<6250x16xf32, #tpu.memory_space<hbm>>) target(%arg13 : memref<512x16xf32, #tpu.memory_space<vmem>>) offsets(%arg10 : memref<512xi32, #tpu.memory_space<vmem>>) semaphore(%arg15 : memref<!tpu.dma_semaphore, #tpu.memory_space<semaphore_mem>>)
    %dma_wait3A = arith.constant 0 : i32
    %dma_wait3A_16 = arith.constant 0 : i32
    %dma_wait3A_17 = tpu.memref_slice %arg4[%dma_wait3A, %dma_wait3A_16] : memref<1000000x32xf32, #tpu.memory_space<hbm>> -> memref<1000000x32xf32, #tpu.memory_space<hbm>>
    tpu.wait_indirect_dma semaphore(%arg15 : memref<!tpu.dma_semaphore, #tpu.memory_space<semaphore_mem>>) src(%dma_wait3A_17 : memref<1000000x32xf32, #tpu.memory_space<hbm>>) dst(%arg11 : memref<512x32xf32, #tpu.memory_space<vmem>>)
    %dma_wait3A_18 = arith.constant 0 : i32
    %dma_wait3A_19 = arith.constant 0 : i32
    %dma_wait3A_20 = tpu.memref_slice %arg5[%dma_wait3A_18, %dma_wait3A_19] : memref<100000x32xf32, #tpu.memory_space<hbm>> -> memref<100000x32xf32, #tpu.memory_space<hbm>>
    tpu.wait_indirect_dma semaphore(%arg15 : memref<!tpu.dma_semaphore, #tpu.memory_space<semaphore_mem>>) src(%dma_wait3A_20 : memref<100000x32xf32, #tpu.memory_space<hbm>>) dst(%arg12 : memref<512x32xf32, #tpu.memory_space<vmem>>)
    %dma_wait3A_21 = arith.constant 0 : i32
    %dma_wait3A_22 = arith.constant 0 : i32
    %dma_wait3A_23 = tpu.memref_slice %arg6[%dma_wait3A_21, %dma_wait3A_22] : memref<6250x16xf32, #tpu.memory_space<hbm>> -> memref<6250x16xf32, #tpu.memory_space<hbm>>
    tpu.wait_indirect_dma semaphore(%arg15 : memref<!tpu.dma_semaphore, #tpu.memory_space<semaphore_mem>>) src(%dma_wait3A_23 : memref<6250x16xf32, #tpu.memory_space<hbm>>) dst(%arg13 : memref<512x16xf32, #tpu.memory_space<vmem>>)
    %iota3A = tpu.iota {dimensions = array<i32: 0>} : vector<16xi32>
    %broadcast_in_dim3A = arith.constant 15 : i32
    %broadcast_in_dim3A_24 = vector.broadcast %broadcast_in_dim3A : i32 to vector<16xi32>
    %scan3A_25 = arith.constant 0 : i32
    %scan3A_26 = arith.constant 0 : i32
    %scan3A_27 = arith.constant 32 : i32
    %scan3A_28 = arith.addi %scan3A_26, %scan3A_27 : i32
    %scan3A_29 = arith.constant 1 : i32
    scf.for %scan3A_31 = %scan3A_26 to %scan3A_28 step %scan3A_29  : i32 {
      %mul3A_32 = arith.constant 16 : i32
      %mul3A_33 = arith.muli %scan3A_31, %mul3A_32 : i32
      %add3A_34 = vector.broadcast %mul3A_33 : i32 to vector<16xi32>
      %add3A_35 = arith.addi %add3A_34, %iota3A : vector<16xi32>
      %broadcast_in_dim3A_36 = arith.constant 0.000000e+00 : f32
      %broadcast_in_dim3A_37 = vector.broadcast %broadcast_in_dim3A_36 : f32 to vector<16xf32>
      %broadcast_in_dim3A_38 = arith.constant 0 : i32
      %broadcast_in_dim3A_39 = vector.broadcast %broadcast_in_dim3A_38 : i32 to vector<16xi32>
      %gather3A = tpu.vector_load_idx %arg11[%add3A_35, %broadcast_in_dim3A_39] : memref<512x32xf32, #tpu.memory_space<vmem>>[vector<16xi32>, vector<16xi32>], vector<16xf32>,
      %gather3A_40 = tpu.vector_load_idx %arg12[%add3A_35, %broadcast_in_dim3A_39] : memref<512x32xf32, #tpu.memory_space<vmem>>[vector<16xi32>, vector<16xi32>], vector<16xf32>,
      %mul3A_41 = arith.mulf %gather3A, %gather3A_40 : vector<16xf32>
      %add3A_42 = arith.addf %broadcast_in_dim3A_37, %mul3A_41 : vector<16xf32>
      %broadcast_in_dim3A_43 = arith.constant 1 : i32
      %broadcast_in_dim3A_44 = vector.broadcast %broadcast_in_dim3A_43 : i32 to vector<16xi32>
      %gather3A_45 = tpu.vector_load_idx %arg11[%add3A_35, %broadcast_in_dim3A_44] : memref<512x32xf32, #tpu.memory_space<vmem>>[vector<16xi32>, vector<16xi32>], vector<16xf32>,
      %gather3A_46 = tpu.vector_load_idx %arg12[%add3A_35, %broadcast_in_dim3A_44] : memref<512x32xf32, #tpu.memory_space<vmem>>[vector<16xi32>, vector<16xi32>], vector<16xf32>,
      %mul3A_47 = arith.mulf %gather3A_45, %gather3A_46 : vector<16xf32>
      %add3A_48 = arith.addf %add3A_42, %mul3A_47 : vector<16xf32>
      %broadcast_in_dim3A_49 = arith.constant 2 : i32
      %broadcast_in_dim3A_50 = vector.broadcast %broadcast_in_dim3A_49 : i32 to vector<16xi32>
      %gather3A_51 = tpu.vector_load_idx %arg11[%add3A_35, %broadcast_in_dim3A_50] : memref<512x32xf32, #tpu.memory_space<vmem>>[vector<16xi32>, vector<16xi32>], vector<16xf32>,
      %gather3A_52 = tpu.vector_load_idx %arg12[%add3A_35, %broadcast_in_dim3A_50] : memref<512x32xf32, #tpu.memory_space<vmem>>[vector<16xi32>, vector<16xi32>], vector<16xf32>,
      %mul3A_53 = arith.mulf %gather3A_51, %gather3A_52 : vector<16xf32>
      %add3A_54 = arith.addf %add3A_48, %mul3A_53 : vector<16xf32>
      %broadcast_in_dim3A_55 = arith.constant 3 : i32
      %broadcast_in_dim3A_56 = vector.broadcast %broadcast_in_dim3A_55 : i32 to vector<16xi32>
      %gather3A_57 = tpu.vector_load_idx %arg11[%add3A_35, %broadcast_in_dim3A_56] : memref<512x32xf32, #tpu.memory_space<vmem>>[vector<16xi32>, vector<16xi32>], vector<16xf32>,
      %gather3A_58 = tpu.vector_load_idx %arg12[%add3A_35, %broadcast_in_dim3A_56] : memref<512x32xf32, #tpu.memory_space<vmem>>[vector<16xi32>, vector<16xi32>], vector<16xf32>,
      %mul3A_59 = arith.mulf %gather3A_57, %gather3A_58 : vector<16xf32>
      %add3A_60 = arith.addf %add3A_54, %mul3A_59 : vector<16xf32>
      %broadcast_in_dim3A_61 = arith.constant 4 : i32
      %broadcast_in_dim3A_62 = vector.broadcast %broadcast_in_dim3A_61 : i32 to vector<16xi32>
      %gather3A_63 = tpu.vector_load_idx %arg11[%add3A_35, %broadcast_in_dim3A_62] : memref<512x32xf32, #tpu.memory_space<vmem>>[vector<16xi32>, vector<16xi32>], vector<16xf32>,
      %gather3A_64 = tpu.vector_load_idx %arg12[%add3A_35, %broadcast_in_dim3A_62] : memref<512x32xf32, #tpu.memory_space<vmem>>[vector<16xi32>, vector<16xi32>], vector<16xf32>,
      %mul3A_65 = arith.mulf %gather3A_63, %gather3A_64 : vector<16xf32>
      %add3A_66 = arith.addf %add3A_60, %mul3A_65 : vector<16xf32>
      %broadcast_in_dim3A_67 = arith.constant 5 : i32
      %broadcast_in_dim3A_68 = vector.broadcast %broadcast_in_dim3A_67 : i32 to vector<16xi32>
      %gather3A_69 = tpu.vector_load_idx %arg11[%add3A_35, %broadcast_in_dim3A_68] : memref<512x32xf32, #tpu.memory_space<vmem>>[vector<16xi32>, vector<16xi32>], vector<16xf32>,
      %gather3A_70 = tpu.vector_load_idx %arg12[%add3A_35, %broadcast_in_dim3A_68] : memref<512x32xf32, #tpu.memory_space<vmem>>[vector<16xi32>, vector<16xi32>], vector<16xf32>,
      %mul3A_71 = arith.mulf %gather3A_69, %gather3A_70 : vector<16xf32>
      %add3A_72 = arith.addf %add3A_66, %mul3A_71 : vector<16xf32>
      %broadcast_in_dim3A_73 = arith.constant 6 : i32
      %broadcast_in_dim3A_74 = vector.broadcast %broadcast_in_dim3A_73 : i32 to vector<16xi32>
      %gather3A_75 = tpu.vector_load_idx %arg11[%add3A_35, %broadcast_in_dim3A_74] : memref<512x32xf32, #tpu.memory_space<vmem>>[vector<16xi32>, vector<16xi32>], vector<16xf32>,
      %gather3A_76 = tpu.vector_load_idx %arg12[%add3A_35, %broadcast_in_dim3A_74] : memref<512x32xf32, #tpu.memory_space<vmem>>[vector<16xi32>, vector<16xi32>], vector<16xf32>,
      %mul3A_77 = arith.mulf %gather3A_75, %gather3A_76 : vector<16xf32>
      %add3A_78 = arith.addf %add3A_72, %mul3A_77 : vector<16xf32>
      %broadcast_in_dim3A_79 = arith.constant 7 : i32
      %broadcast_in_dim3A_80 = vector.broadcast %broadcast_in_dim3A_79 : i32 to vector<16xi32>
      %gather3A_81 = tpu.vector_load_idx %arg11[%add3A_35, %broadcast_in_dim3A_80] : memref<512x32xf32, #tpu.memory_space<vmem>>[vector<16xi32>, vector<16xi32>], vector<16xf32>,
      %gather3A_82 = tpu.vector_load_idx %arg12[%add3A_35, %broadcast_in_dim3A_80] : memref<512x32xf32, #tpu.memory_space<vmem>>[vector<16xi32>, vector<16xi32>], vector<16xf32>,
      %mul3A_83 = arith.mulf %gather3A_81, %gather3A_82 : vector<16xf32>
      %add3A_84 = arith.addf %add3A_78, %mul3A_83 : vector<16xf32>
      %broadcast_in_dim3A_85 = arith.constant 8 : i32
      %broadcast_in_dim3A_86 = vector.broadcast %broadcast_in_dim3A_85 : i32 to vector<16xi32>
      %gather3A_87 = tpu.vector_load_idx %arg11[%add3A_35, %broadcast_in_dim3A_86] : memref<512x32xf32, #tpu.memory_space<vmem>>[vector<16xi32>, vector<16xi32>], vector<16xf32>,
      %gather3A_88 = tpu.vector_load_idx %arg12[%add3A_35, %broadcast_in_dim3A_86] : memref<512x32xf32, #tpu.memory_space<vmem>>[vector<16xi32>, vector<16xi32>], vector<16xf32>,
      %mul3A_89 = arith.mulf %gather3A_87, %gather3A_88 : vector<16xf32>
      %add3A_90 = arith.addf %add3A_84, %mul3A_89 : vector<16xf32>
      %broadcast_in_dim3A_91 = arith.constant 9 : i32
      %broadcast_in_dim3A_92 = vector.broadcast %broadcast_in_dim3A_91 : i32 to vector<16xi32>
      %gather3A_93 = tpu.vector_load_idx %arg11[%add3A_35, %broadcast_in_dim3A_92] : memref<512x32xf32, #tpu.memory_space<vmem>>[vector<16xi32>, vector<16xi32>], vector<16xf32>,
      %gather3A_94 = tpu.vector_load_idx %arg12[%add3A_35, %broadcast_in_dim3A_92] : memref<512x32xf32, #tpu.memory_space<vmem>>[vector<16xi32>, vector<16xi32>], vector<16xf32>,
      %mul3A_95 = arith.mulf %gather3A_93, %gather3A_94 : vector<16xf32>
      %add3A_96 = arith.addf %add3A_90, %mul3A_95 : vector<16xf32>
      %broadcast_in_dim3A_97 = arith.constant 10 : i32
      %broadcast_in_dim3A_98 = vector.broadcast %broadcast_in_dim3A_97 : i32 to vector<16xi32>
      %gather3A_99 = tpu.vector_load_idx %arg11[%add3A_35, %broadcast_in_dim3A_98] : memref<512x32xf32, #tpu.memory_space<vmem>>[vector<16xi32>, vector<16xi32>], vector<16xf32>,
      %gather3A_100 = tpu.vector_load_idx %arg12[%add3A_35, %broadcast_in_dim3A_98] : memref<512x32xf32, #tpu.memory_space<vmem>>[vector<16xi32>, vector<16xi32>], vector<16xf32>,
      %mul3A_101 = arith.mulf %gather3A_99, %gather3A_100 : vector<16xf32>
      %add3A_102 = arith.addf %add3A_96, %mul3A_101 : vector<16xf32>
      %broadcast_in_dim3A_103 = arith.constant 11 : i32
      %broadcast_in_dim3A_104 = vector.broadcast %broadcast_in_dim3A_103 : i32 to vector<16xi32>
      %gather3A_105 = tpu.vector_load_idx %arg11[%add3A_35, %broadcast_in_dim3A_104] : memref<512x32xf32, #tpu.memory_space<vmem>>[vector<16xi32>, vector<16xi32>], vector<16xf32>,
      %gather3A_106 = tpu.vector_load_idx %arg12[%add3A_35, %broadcast_in_dim3A_104] : memref<512x32xf32, #tpu.memory_space<vmem>>[vector<16xi32>, vector<16xi32>], vector<16xf32>,
      %mul3A_107 = arith.mulf %gather3A_105, %gather3A_106 : vector<16xf32>
      %add3A_108 = arith.addf %add3A_102, %mul3A_107 : vector<16xf32>
      %broadcast_in_dim3A_109 = arith.constant 12 : i32
      %broadcast_in_dim3A_110 = vector.broadcast %broadcast_in_dim3A_109 : i32 to vector<16xi32>
      %gather3A_111 = tpu.vector_load_idx %arg11[%add3A_35, %broadcast_in_dim3A_110] : memref<512x32xf32, #tpu.memory_space<vmem>>[vector<16xi32>, vector<16xi32>], vector<16xf32>,
      %gather3A_112 = tpu.vector_load_idx %arg12[%add3A_35, %broadcast_in_dim3A_110] : memref<512x32xf32, #tpu.memory_space<vmem>>[vector<16xi32>, vector<16xi32>], vector<16xf32>,
      %mul3A_113 = arith.mulf %gather3A_111, %gather3A_112 : vector<16xf32>
      %add3A_114 = arith.addf %add3A_108, %mul3A_113 : vector<16xf32>
      %broadcast_in_dim3A_115 = arith.constant 13 : i32
      %broadcast_in_dim3A_116 = vector.broadcast %broadcast_in_dim3A_115 : i32 to vector<16xi32>
      %gather3A_117 = tpu.vector_load_idx %arg11[%add3A_35, %broadcast_in_dim3A_116] : memref<512x32xf32, #tpu.memory_space<vmem>>[vector<16xi32>, vector<16xi32>], vector<16xf32>,
      %gather3A_118 = tpu.vector_load_idx %arg12[%add3A_35, %broadcast_in_dim3A_116] : memref<512x32xf32, #tpu.memory_space<vmem>>[vector<16xi32>, vector<16xi32>], vector<16xf32>,
      %mul3A_119 = arith.mulf %gather3A_117, %gather3A_118 : vector<16xf32>
      %add3A_120 = arith.addf %add3A_114, %mul3A_119 : vector<16xf32>
      %broadcast_in_dim3A_121 = arith.constant 14 : i32
      %broadcast_in_dim3A_122 = vector.broadcast %broadcast_in_dim3A_121 : i32 to vector<16xi32>
      %gather3A_123 = tpu.vector_load_idx %arg11[%add3A_35, %broadcast_in_dim3A_122] : memref<512x32xf32, #tpu.memory_space<vmem>>[vector<16xi32>, vector<16xi32>], vector<16xf32>,
      %gather3A_124 = tpu.vector_load_idx %arg12[%add3A_35, %broadcast_in_dim3A_122] : memref<512x32xf32, #tpu.memory_space<vmem>>[vector<16xi32>, vector<16xi32>], vector<16xf32>,
      %mul3A_125 = arith.mulf %gather3A_123, %gather3A_124 : vector<16xf32>
      %add3A_126 = arith.addf %add3A_120, %mul3A_125 : vector<16xf32>
      %broadcast_in_dim3A_127 = arith.constant 15 : i32
      %broadcast_in_dim3A_128 = vector.broadcast %broadcast_in_dim3A_127 : i32 to vector<16xi32>
      %gather3A_129 = tpu.vector_load_idx %arg11[%add3A_35, %broadcast_in_dim3A_128] : memref<512x32xf32, #tpu.memory_space<vmem>>[vector<16xi32>, vector<16xi32>], vector<16xf32>,
      %gather3A_130 = tpu.vector_load_idx %arg12[%add3A_35, %broadcast_in_dim3A_128] : memref<512x32xf32, #tpu.memory_space<vmem>>[vector<16xi32>, vector<16xi32>], vector<16xf32>,
      %mul3A_131 = arith.mulf %gather3A_129, %gather3A_130 : vector<16xf32>
      %add3A_132 = arith.addf %add3A_126, %mul3A_131 : vector<16xf32>
      %broadcast_in_dim3A_133 = arith.constant 16 : i32
      %broadcast_in_dim3A_134 = vector.broadcast %broadcast_in_dim3A_133 : i32 to vector<16xi32>
      %gather3A_135 = tpu.vector_load_idx %arg11[%add3A_35, %broadcast_in_dim3A_134] : memref<512x32xf32, #tpu.memory_space<vmem>>[vector<16xi32>, vector<16xi32>], vector<16xf32>,
      %gather3A_136 = tpu.vector_load_idx %arg12[%add3A_35, %broadcast_in_dim3A_134] : memref<512x32xf32, #tpu.memory_space<vmem>>[vector<16xi32>, vector<16xi32>], vector<16xf32>,
      %mul3A_137 = arith.mulf %gather3A_135, %gather3A_136 : vector<16xf32>
      %add3A_138 = arith.addf %add3A_132, %mul3A_137 : vector<16xf32>
      %broadcast_in_dim3A_139 = arith.constant 17 : i32
      %broadcast_in_dim3A_140 = vector.broadcast %broadcast_in_dim3A_139 : i32 to vector<16xi32>
      %gather3A_141 = tpu.vector_load_idx %arg11[%add3A_35, %broadcast_in_dim3A_140] : memref<512x32xf32, #tpu.memory_space<vmem>>[vector<16xi32>, vector<16xi32>], vector<16xf32>,
      %gather3A_142 = tpu.vector_load_idx %arg12[%add3A_35, %broadcast_in_dim3A_140] : memref<512x32xf32, #tpu.memory_space<vmem>>[vector<16xi32>, vector<16xi32>], vector<16xf32>,
      %mul3A_143 = arith.mulf %gather3A_141, %gather3A_142 : vector<16xf32>
      %add3A_144 = arith.addf %add3A_138, %mul3A_143 : vector<16xf32>
      %broadcast_in_dim3A_145 = arith.constant 18 : i32
      %broadcast_in_dim3A_146 = vector.broadcast %broadcast_in_dim3A_145 : i32 to vector<16xi32>
      %gather3A_147 = tpu.vector_load_idx %arg11[%add3A_35, %broadcast_in_dim3A_146] : memref<512x32xf32, #tpu.memory_space<vmem>>[vector<16xi32>, vector<16xi32>], vector<16xf32>,
      %gather3A_148 = tpu.vector_load_idx %arg12[%add3A_35, %broadcast_in_dim3A_146] : memref<512x32xf32, #tpu.memory_space<vmem>>[vector<16xi32>, vector<16xi32>], vector<16xf32>,
      %mul3A_149 = arith.mulf %gather3A_147, %gather3A_148 : vector<16xf32>
      %add3A_150 = arith.addf %add3A_144, %mul3A_149 : vector<16xf32>
      %broadcast_in_dim3A_151 = arith.constant 19 : i32
      %broadcast_in_dim3A_152 = vector.broadcast %broadcast_in_dim3A_151 : i32 to vector<16xi32>
      %gather3A_153 = tpu.vector_load_idx %arg11[%add3A_35, %broadcast_in_dim3A_152] : memref<512x32xf32, #tpu.memory_space<vmem>>[vector<16xi32>, vector<16xi32>], vector<16xf32>,
      %gather3A_154 = tpu.vector_load_idx %arg12[%add3A_35, %broadcast_in_dim3A_152] : memref<512x32xf32, #tpu.memory_space<vmem>>[vector<16xi32>, vector<16xi32>], vector<16xf32>,
      %mul3A_155 = arith.mulf %gather3A_153, %gather3A_154 : vector<16xf32>
      %add3A_156 = arith.addf %add3A_150, %mul3A_155 : vector<16xf32>
      %broadcast_in_dim3A_157 = arith.constant 20 : i32
      %broadcast_in_dim3A_158 = vector.broadcast %broadcast_in_dim3A_157 : i32 to vector<16xi32>
      %gather3A_159 = tpu.vector_load_idx %arg11[%add3A_35, %broadcast_in_dim3A_158] : memref<512x32xf32, #tpu.memory_space<vmem>>[vector<16xi32>, vector<16xi32>], vector<16xf32>,
      %gather3A_160 = tpu.vector_load_idx %arg12[%add3A_35, %broadcast_in_dim3A_158] : memref<512x32xf32, #tpu.memory_space<vmem>>[vector<16xi32>, vector<16xi32>], vector<16xf32>,
      %mul3A_161 = arith.mulf %gather3A_159, %gather3A_160 : vector<16xf32>
      %add3A_162 = arith.addf %add3A_156, %mul3A_161 : vector<16xf32>
      %broadcast_in_dim3A_163 = arith.constant 21 : i32
      %broadcast_in_dim3A_164 = vector.broadcast %broadcast_in_dim3A_163 : i32 to vector<16xi32>
      %gather3A_165 = tpu.vector_load_idx %arg11[%add3A_35, %broadcast_in_dim3A_164] : memref<512x32xf32, #tpu.memory_space<vmem>>[vector<16xi32>, vector<16xi32>], vector<16xf32>,
      %gather3A_166 = tpu.vector_load_idx %arg12[%add3A_35, %broadcast_in_dim3A_164] : memref<512x32xf32, #tpu.memory_space<vmem>>[vector<16xi32>, vector<16xi32>], vector<16xf32>,
      %mul3A_167 = arith.mulf %gather3A_165, %gather3A_166 : vector<16xf32>
      %add3A_168 = arith.addf %add3A_162, %mul3A_167 : vector<16xf32>
      %broadcast_in_dim3A_169 = arith.constant 22 : i32
      %broadcast_in_dim3A_170 = vector.broadcast %broadcast_in_dim3A_169 : i32 to vector<16xi32>
      %gather3A_171 = tpu.vector_load_idx %arg11[%add3A_35, %broadcast_in_dim3A_170] : memref<512x32xf32, #tpu.memory_space<vmem>>[vector<16xi32>, vector<16xi32>], vector<16xf32>,
      %gather3A_172 = tpu.vector_load_idx %arg12[%add3A_35, %broadcast_in_dim3A_170] : memref<512x32xf32, #tpu.memory_space<vmem>>[vector<16xi32>, vector<16xi32>], vector<16xf32>,
      %mul3A_173 = arith.mulf %gather3A_171, %gather3A_172 : vector<16xf32>
      %add3A_174 = arith.addf %add3A_168, %mul3A_173 : vector<16xf32>
      %broadcast_in_dim3A_175 = arith.constant 23 : i32
      %broadcast_in_dim3A_176 = vector.broadcast %broadcast_in_dim3A_175 : i32 to vector<16xi32>
      %gather3A_177 = tpu.vector_load_idx %arg11[%add3A_35, %broadcast_in_dim3A_176] : memref<512x32xf32, #tpu.memory_space<vmem>>[vector<16xi32>, vector<16xi32>], vector<16xf32>,
      %gather3A_178 = tpu.vector_load_idx %arg12[%add3A_35, %broadcast_in_dim3A_176] : memref<512x32xf32, #tpu.memory_space<vmem>>[vector<16xi32>, vector<16xi32>], vector<16xf32>,
      %mul3A_179 = arith.mulf %gather3A_177, %gather3A_178 : vector<16xf32>
      %add3A_180 = arith.addf %add3A_174, %mul3A_179 : vector<16xf32>
      %broadcast_in_dim3A_181 = arith.constant 24 : i32
      %broadcast_in_dim3A_182 = vector.broadcast %broadcast_in_dim3A_181 : i32 to vector<16xi32>
      %gather3A_183 = tpu.vector_load_idx %arg11[%add3A_35, %broadcast_in_dim3A_182] : memref<512x32xf32, #tpu.memory_space<vmem>>[vector<16xi32>, vector<16xi32>], vector<16xf32>,
      %gather3A_184 = tpu.vector_load_idx %arg12[%add3A_35, %broadcast_in_dim3A_182] : memref<512x32xf32, #tpu.memory_space<vmem>>[vector<16xi32>, vector<16xi32>], vector<16xf32>,
      %mul3A_185 = arith.mulf %gather3A_183, %gather3A_184 : vector<16xf32>
      %add3A_186 = arith.addf %add3A_180, %mul3A_185 : vector<16xf32>
      %broadcast_in_dim3A_187 = arith.constant 25 : i32
      %broadcast_in_dim3A_188 = vector.broadcast %broadcast_in_dim3A_187 : i32 to vector<16xi32>
      %gather3A_189 = tpu.vector_load_idx %arg11[%add3A_35, %broadcast_in_dim3A_188] : memref<512x32xf32, #tpu.memory_space<vmem>>[vector<16xi32>, vector<16xi32>], vector<16xf32>,
      %gather3A_190 = tpu.vector_load_idx %arg12[%add3A_35, %broadcast_in_dim3A_188] : memref<512x32xf32, #tpu.memory_space<vmem>>[vector<16xi32>, vector<16xi32>], vector<16xf32>,
      %mul3A_191 = arith.mulf %gather3A_189, %gather3A_190 : vector<16xf32>
      %add3A_192 = arith.addf %add3A_186, %mul3A_191 : vector<16xf32>
      %broadcast_in_dim3A_193 = arith.constant 26 : i32
      %broadcast_in_dim3A_194 = vector.broadcast %broadcast_in_dim3A_193 : i32 to vector<16xi32>
      %gather3A_195 = tpu.vector_load_idx %arg11[%add3A_35, %broadcast_in_dim3A_194] : memref<512x32xf32, #tpu.memory_space<vmem>>[vector<16xi32>, vector<16xi32>], vector<16xf32>,
      %gather3A_196 = tpu.vector_load_idx %arg12[%add3A_35, %broadcast_in_dim3A_194] : memref<512x32xf32, #tpu.memory_space<vmem>>[vector<16xi32>, vector<16xi32>], vector<16xf32>,
      %mul3A_197 = arith.mulf %gather3A_195, %gather3A_196 : vector<16xf32>
      %add3A_198 = arith.addf %add3A_192, %mul3A_197 : vector<16xf32>
      %broadcast_in_dim3A_199 = arith.constant 27 : i32
      %broadcast_in_dim3A_200 = vector.broadcast %broadcast_in_dim3A_199 : i32 to vector<16xi32>
      %gather3A_201 = tpu.vector_load_idx %arg11[%add3A_35, %broadcast_in_dim3A_200] : memref<512x32xf32, #tpu.memory_space<vmem>>[vector<16xi32>, vector<16xi32>], vector<16xf32>,
      %gather3A_202 = tpu.vector_load_idx %arg12[%add3A_35, %broadcast_in_dim3A_200] : memref<512x32xf32, #tpu.memory_space<vmem>>[vector<16xi32>, vector<16xi32>], vector<16xf32>,
      %mul3A_203 = arith.mulf %gather3A_201, %gather3A_202 : vector<16xf32>
      %add3A_204 = arith.addf %add3A_198, %mul3A_203 : vector<16xf32>
      %broadcast_in_dim3A_205 = arith.constant 28 : i32
      %broadcast_in_dim3A_206 = vector.broadcast %broadcast_in_dim3A_205 : i32 to vector<16xi32>
      %gather3A_207 = tpu.vector_load_idx %arg11[%add3A_35, %broadcast_in_dim3A_206] : memref<512x32xf32, #tpu.memory_space<vmem>>[vector<16xi32>, vector<16xi32>], vector<16xf32>,
      %gather3A_208 = tpu.vector_load_idx %arg12[%add3A_35, %broadcast_in_dim3A_206] : memref<512x32xf32, #tpu.memory_space<vmem>>[vector<16xi32>, vector<16xi32>], vector<16xf32>,
      %mul3A_209 = arith.mulf %gather3A_207, %gather3A_208 : vector<16xf32>
      %add3A_210 = arith.addf %add3A_204, %mul3A_209 : vector<16xf32>
      %broadcast_in_dim3A_211 = arith.constant 29 : i32
      %broadcast_in_dim3A_212 = vector.broadcast %broadcast_in_dim3A_211 : i32 to vector<16xi32>
      %gather3A_213 = tpu.vector_load_idx %arg11[%add3A_35, %broadcast_in_dim3A_212] : memref<512x32xf32, #tpu.memory_space<vmem>>[vector<16xi32>, vector<16xi32>], vector<16xf32>,
      %gather3A_214 = tpu.vector_load_idx %arg12[%add3A_35, %broadcast_in_dim3A_212] : memref<512x32xf32, #tpu.memory_space<vmem>>[vector<16xi32>, vector<16xi32>], vector<16xf32>,
      %mul3A_215 = arith.mulf %gather3A_213, %gather3A_214 : vector<16xf32>
      %add3A_216 = arith.addf %add3A_210, %mul3A_215 : vector<16xf32>
      %broadcast_in_dim3A_217 = arith.constant 30 : i32
      %broadcast_in_dim3A_218 = vector.broadcast %broadcast_in_dim3A_217 : i32 to vector<16xi32>
      %gather3A_219 = tpu.vector_load_idx %arg11[%add3A_35, %broadcast_in_dim3A_218] : memref<512x32xf32, #tpu.memory_space<vmem>>[vector<16xi32>, vector<16xi32>], vector<16xf32>,
      %gather3A_220 = tpu.vector_load_idx %arg12[%add3A_35, %broadcast_in_dim3A_218] : memref<512x32xf32, #tpu.memory_space<vmem>>[vector<16xi32>, vector<16xi32>], vector<16xf32>,
      %mul3A_221 = arith.mulf %gather3A_219, %gather3A_220 : vector<16xf32>
      %add3A_222 = arith.addf %add3A_216, %mul3A_221 : vector<16xf32>
      %broadcast_in_dim3A_223 = arith.constant 31 : i32
      %broadcast_in_dim3A_224 = vector.broadcast %broadcast_in_dim3A_223 : i32 to vector<16xi32>
      %gather3A_225 = tpu.vector_load_idx %arg11[%add3A_35, %broadcast_in_dim3A_224] : memref<512x32xf32, #tpu.memory_space<vmem>>[vector<16xi32>, vector<16xi32>], vector<16xf32>,
      %gather3A_226 = tpu.vector_load_idx %arg12[%add3A_35, %broadcast_in_dim3A_224] : memref<512x32xf32, #tpu.memory_space<vmem>>[vector<16xi32>, vector<16xi32>], vector<16xf32>,
      %mul3A_227 = arith.mulf %gather3A_225, %gather3A_226 : vector<16xf32>
      %add3A_228 = arith.addf %add3A_222, %mul3A_227 : vector<16xf32>
      %mul3A_229 = arith.constant 16 : i32
      %mul3A_230 = arith.muli %scan3A_31, %mul3A_229 : i32
      %get3A = arith.index_cast %mul3A_230 : i32 to index
      %get3A_231 = tpu.vector_load %arg9[%get3A] {strides = array<i32>} : memref<512xi32, #tpu.memory_space<vmem>>, vector<16xi32>,
      %and3A = arith.andi %get3A_231, %broadcast_in_dim3A_24 : vector<16xi32>
      %gather3A_232 = tpu.vector_load_idx %arg13[%add3A_35, %and3A] : memref<512x16xf32, #tpu.memory_space<vmem>>[vector<16xi32>, vector<16xi32>], vector<16xf32>,
      %add3A_233 = arith.addf %add3A_228, %gather3A_232 : vector<16xf32>
      %mul3A_234 = arith.constant 16 : i32
      %mul3A_235 = arith.muli %scan3A_31, %mul3A_234 : i32
      %swap3A = arith.index_cast %mul3A_235 : i32 to index
      %swap3A_236 = tpu.vector_load %arg14[%swap3A] {strides = array<i32>} : memref<512xf32, #tpu.memory_space<vmem>>, vector<16xf32>,
      tpu.vector_store %arg14[%swap3A], %add3A_233 {strides = array<i32>} : memref<512xf32, #tpu.memory_space<vmem>>, vector<16xf32>,
    }
    %scan3A_30 = arith.constant 32 : i32
    "tpu.region"() ({
      %run_scoped3A = tpu.sem_alloc : memref<!tpu.dma_semaphore, #tpu.memory_space<semaphore_mem>>
      %dma_start3A_31 = tpu.memref_slice %arg7[%mul3A_2] : memref<16384xf32, #tpu.memory_space<hbm>> -> memref<512xf32, #tpu.memory_space<hbm>>
      %dma_start3A_32 = tpu.memref_slice %arg7[%mul3A_2] : memref<16384xf32, #tpu.memory_space<hbm>> -> memref<512xf32, #tpu.memory_space<hbm>>
      tpu.enqueue_dma source(%arg14 : memref<512xf32, #tpu.memory_space<vmem>>) target(%dma_start3A_32 : memref<512xf32, #tpu.memory_space<hbm>>) target_semaphore(%run_scoped3A : memref<!tpu.dma_semaphore, #tpu.memory_space<semaphore_mem>>)
      %dma_wait3A_33 = tpu.memref_slice %arg7[%mul3A_2] : memref<16384xf32, #tpu.memory_space<hbm>> -> memref<512xf32, #tpu.memory_space<hbm>>
      %dma_wait3A_34 = tpu.memref_slice %arg7[%mul3A_2] : memref<16384xf32, #tpu.memory_space<hbm>> -> memref<512xf32, #tpu.memory_space<hbm>>
      tpu.wait_dma2 semaphore(%run_scoped3A : memref<!tpu.dma_semaphore, #tpu.memory_space<semaphore_mem>>) src(%arg14 : memref<512xf32, #tpu.memory_space<vmem>>) dst(%dma_wait3A_34 : memref<512xf32, #tpu.memory_space<hbm>>)
      tpu.yield
    }) : () -> ()
    return
  }
}

</mosaic_0001>

<sc_bundles>
// kernel: kernel.3.cloned.1.call-start
scs
__scs_entry_jumppad:
0x0: {  	(pc) =	sbr.rel $0x88, $3  }
0x1: {  	(tag) =	ssettag $0x0;
	lr =	simm.s32 $0x1  }
0x2: {  	[smem:$0x3F9C] =	sst lr;
	_ =	strace $0xD0000000  }
0x3: {  	_ = 	snop  }
0x4: {  	_ = 	snop  }
0x5: {  	_ = 	snop  }
0x6: {  	_ = 	snop  }
0x7: {  	_ = 	snop  }
__scs_overlays_trampoline_lowered:
0x8: {  	[smem:$0x3FAB] =	sst s0  }
0x9: {  	[smem:$0x3FAC] =	sst s1  }
0xa: {  	[smem:$0x3FAD] =	sst s2  }
0xb: {  	[smem:$0x3FAE] =	sst s3  }
0xc: {  	[smem:$0x3FAF] =	sst s4  }
0xd: {  	[smem:$0x3FB0] =	sst s5  }
0xe: {  	[smem:$0x3FB1] =	sst s6  }
0xf: {  	[smem:$0x3FB2] =	sst s7  }
0x10: {  	[smem:$0x3FB3] =	sst s8  }
0x11: {  	[smem:$0x3FB4] =	sst s9;
	s0 =	simm.s32 @!p0 $0x0  }
0x12: {  	s1 =	sld [smem:$0x3F9A];
	s0 =	simm.s32 @p0 $0x1  }
0x13: {  	[smem:$0x3FB5] =	sst s0;
	s0 =	simm.s32 @!p1 $0x0  }
0x14: {  	s2 =	sld [smem:$0x3F99];
	s0 =	simm.s32 @p1 $0x1  }
0x15: {  	[smem:$0x3FB6] =	sst s0;
	s0 =	simm.s32 @!p2 $0x0  }
0x16: {  	s3 =	sld [smem:$0x3FDB];
	s0 =	simm.s32 @p2 $0x1  }
0x17: {  	s4 =	simm.s32 $0x1BF5;
	[smem:$0x3FB8] =	sst s0  }
0x18: {  	s0 =	sld [smem:$0x3F9B];
	_ =	swait.ge [sflag:s4], $0x0  }
0x19: {  	s7 =	sld [smem:$0x3F9C]  }
0x1a: {  	s8 =	sadd.s32 $0xFFFFE003, lr  }
0x1b: {  	s9 =	sadd.s32 $0xFFFFFEF7, lr;
	s5 =	simm.s32 $0xFFFFFFFF;
	p2 =	slt.u32 s8, $0xFFFFF086  }
0x1c: {  	p1 =	slt.u32 s9, $0xF7A;
	s5 =	simm.s32 @!p2 $0x0  }
0x1d: {  	s5 =	simm.s32 @p1 $0x1;
	p0 =	seq.s32 s7, s2  }
0x1e: {  	s7 =	smul.u32 @!p0 $0xF7A, s2;
	p2 =	seq.s32 @!p0 s5, $0x0  }
0x1f: {  	s9 =	smul.u32 $0xF7A, s1;
	s8 =	simm.s32 @!p0 $0x1BF5;
	p2 =	por !p2, p0  }
0x20: {  	[sflag:s8] =	ssyncset.s32 @!p0 $0xFFFFF086;
	s6 =	sadd.s32 @!p0 s3, s7;
	s7 =	simm.s32 @!p0 $0x108  }
0x21: {  	s3 =	sadd.s32 s3, s9;
	s6 =	sadd.s32 @!p0 $0x88, s6;
	s7 =	simm.s32 @p2 $0x1082  }
0x22: {  	[simem:s7], [sflag:s8] =	dma.local @!p0 [hbm:s6], $0xF7A  }
0x23: {  	s9 =	sor.u32 $0xD0000000, s2;
	s6 =	simm.s32 $0x108;
	_ =	swait.ge @!p0 [sflag:s8], $0x0  }
0x24: {  	s3 =	sadd.s32 $0x88, s3;
	s6 =	simm.s32 @!p1 $0x1082;
	[sflag:s4] =	ssyncset.s32 $0xFFFFF086  }
0x25: {  	[simem:s6], [sflag:s4] =	dma.local [hbm:s3], $0xF7A  }
0x26: {  	[smem:$0x3F9C] =	sst s1;
	(tag) =	ssettag s2;
	_ =	strace s9  }
0x27: {  	s1 =	sld [smem:$0x3FAC]  }
0x28: {  	s2 =	sld [smem:$0x3FAD]  }
0x29: {  	s4 =	sld [smem:$0x3FAF]  }
0x2a: {  	p0 =	seq.s32 s5, $0x0;
	s5 =	sld [smem:$0x3FB0]  }
0x2b: {  	s6 =	sld [smem:$0x3FB1]  }
0x2c: {  	s7 =	sld [smem:$0x3FB2]  }
0x2d: {  	s3 =	simm.s32 $0x108;
	s8 =	sld [smem:$0x3FB3]  }
0x2e: {  	s3 =	simm.s32 @!p0 $0x1082;
	s9 =	sld [smem:$0x3FB4]  }
0x2f: {  	lr =	sadd.s32 s0, s3;
	s0 =	sld [smem:$0x3FAB]  }
0x30: {  	s3 =	sld [smem:$0x3FAE]  }
0x31: {  	[smem:$0x3FB7] =	sst s10  }
0x32: {  	s10 =	sld [smem:$0x3FB5];
	_ =	sdelay $0x3  }
0x33: {  	p0 =	seq.s32 s10, $0x1;
	s10 =	sld [smem:$0x3FB7];
	_ =	sdelay $0x3  }
0x34: {  	[smem:$0x3FB7] =	sst s10  }
0x35: {  	s10 =	sld [smem:$0x3FB6];
	_ =	sdelay $0x3  }
0x36: {  	p1 =	seq.s32 s10, $0x1;
	s10 =	sld [smem:$0x3FB7];
	_ =	sdelay $0x3  }
0x37: {  	[smem:$0x3FB7] =	sst s10  }
0x38: {  	s10 =	sld [smem:$0x3FB8]  }
0x39: {  	_ = 	snop;
	(pc) =	sbr.ind lr, $3  }
0x3a: {  	_ = 	snop  }
0x3b: {  	_ = 	snop  }
0x3c: {  	p2 =	seq.s32 s10, $0x1;
	s10 =	sld [smem:$0x3FB7]  }
0x3d: {  	_ =	shalt  }
0x3e: {  	_ =	shalt  }
0x3f: {  	_ =	shalt  }
0x40: {  	_ =	shalt  }
0x41: {  	_ =	shalt  }
0x42: {  	_ =	shalt  }
0x43: {  	_ =	shalt  }
0x44: {  	_ =	shalt  }
0x45: {  	_ =	shalt  }
0x46: {  	_ =	shalt  }
0x47: {  	_ =	shalt  }
0x48: {  	_ =	shalt  }
0x49: {  	_ =	shalt  }
0x4a: {  	_ =	shalt  }
0x4b: {  	_ =	shalt  }
0x4c: {  	_ =	shalt  }
0x4d: {  	_ =	shalt  }
0x4e: {  	_ =	shalt  }
0x4f: {  	_ =	shalt  }
0x50: {  	_ =	shalt  }
0x51: {  	_ =	shalt  }
0x52: {  	_ =	shalt  }
0x53: {  	_ =	shalt  }
0x54: {  	_ =	shalt  }
0x55: {  	_ =	shalt  }
0x56: {  	_ =	shalt  }
0x57: {  	_ =	shalt  }
0x58: {  	_ =	shalt  }
0x59: {  	_ =	shalt  }
0x5a: {  	_ =	shalt  }
0x5b: {  	_ =	shalt  }
0x5c: {  	_ =	shalt  }
0x5d: {  	_ =	shalt  }
0x5e: {  	_ =	shalt  }
0x5f: {  	_ =	shalt  }
0x60: {  	_ =	shalt  }
0x61: {  	_ =	shalt  }
0x62: {  	_ =	shalt  }
0x63: {  	_ =	shalt  }
0x64: {  	_ =	shalt  }
0x65: {  	_ =	shalt  }
0x66: {  	_ =	shalt  }
0x67: {  	_ =	shalt  }
0x68: {  	_ =	shalt  }
0x69: {  	_ =	shalt  }
0x6a: {  	_ =	shalt  }
0x6b: {  	_ =	shalt  }
0x6c: {  	_ =	shalt  }
0x6d: {  	_ =	shalt  }
0x6e: {  	_ =	shalt  }
0x6f: {  	_ =	shalt  }
0x70: {  	_ =	shalt  }
0x71: {  	_ =	shalt  }
0x72: {  	_ =	shalt  }
0x73: {  	_ =	shalt  }
0x74: {  	_ =	shalt  }
0x75: {  	_ =	shalt  }
0x76: {  	_ =	shalt  }
0x77: {  	_ =	shalt  }
0x78: {  	_ =	shalt  }
0x79: {  	_ =	shalt  }
0x7a: {  	_ =	shalt  }
0x7b: {  	_ =	shalt  }
0x7c: {  	_ =	shalt  }
0x7d: {  	_ =	shalt  }
0x7e: {  	_ =	shalt  }
0x7f: {  	_ =	shalt  }
0x80: {  	_ =	shalt  }
0x81: {  	_ =	shalt  }
0x82: {  	_ =	shalt  }
0x83: {  	_ =	shalt  }
0x84: {  	_ =	shalt  }
0x85: {  	_ =	shalt  }
0x86: {  	_ =	shalt  }
0x87: {  	_ =	shalt  }
.Lfunc_end0:
.L_simem_size_0:
called_computation_lowered:
.L_overlay_start_0:
0x88: {  	s2 =	sld [smem:$0x3FD9]  }
0x89: {  	s3 =	sld [smem:$0x3FFE];
	_ =	sdelay $0x1  }
0x8a: {  	s1 =	srdreg.scid  }
0x8b: {  	s0 =	sand.u32 $0x1, s1  }
0x8c: {  	s17 =	sshll.u32 s0, $0xA;
	s2 =	sadd.s32 s3, s2  }
0x8d: {  	s2 =	sadd.s32 s2, s17  }
0x8e: {  	[smem:$0x3FC3] =	sst s2  }
0x8f: {  	_ = 	snop  }
0x90: {  	s2 =	sld [smem:$0x3FC9]  }
0x91: {  	s18 =	sld [smem:$0x3FC8]  }
0x92: {  	s4 =	sld [smem:$0x3FD0];
	(tm) =	ssettm $0x1  }
0x93: {  	s5 =	sld [smem:$0x3FFB];
	_ =	sdelay $0x3  }
0x94: {  	_ =	strace s5  }
0x95: {  	s5 =	sld [smem:$0x3FFC];
	_ =	sdelay $0x3  }
0x96: {  	_ =	strace s5  }
0x97: {  	s5 =	sld [smem:$0x3FFD];
	_ =	sdelay $0x3  }
0x98: {  	_ =	strace s5  }
0x99: {  	_ =	strace $0x8FFFFFFF  }
0x9a: {  	s19 =	sld [smem:$0x3FDB];
	_ =	sdelay $0x1  }
0x9b: {  	s6 =	simm.s32 $_scs_section_size  }
0x9c: {  	s7 =	simm.s32 $_size__tile_overlayer_lowered;
	s8 =	simm.s32 $_tile_overlayer_lowered  }
0x9d: {  	s22 =	simm.s32 $0x1BFF;
	s21 =	sshll.u32 s8, $0x1;
	s5 =	sadd.s32 s6, s19  }
0x9e: {  	s9 =	simm.s32 $0x0;
	s20 =	sshll.u32 s7, $0x1;
	s7 =	sadd.s32 s21, s5  }
0x9f: {  	[timem:s9], [sflag:s22] =	dma.local [hbm:s7], s20  }
0xa0: {  	_ =	swait.ge [sflag:s22], s20  }
0xa1: {  	s6 =	ssub.s32 $0x0, s20;
	[sflag:s22] =	ssyncset.done $0x0  }
0xa2: {  	[sflag:s22] =	ssyncadd.s32 s6;
	_ =	sdelay $0x1  }
0xa3: {  	s23 =	simm.s32 $0x1B8B  }
0xa4: {  	_ =	swait.ge [sflag:s23], $0x1  }
0xa5: {  	[sflag:s23] =	ssyncset.done $0x0  }
0xa6: {  	s25 =	simm.s32 $0x1B8E;
	s24 =	sld [smem:$0x3FFE];
	[sflag:s23] =	ssyncadd.s32 $0xFFFFFFFF  }
0xa7: {  	s26 =	simm.s32 $execute0_lowered;
	[smem:$0x3FD2] =	sst s25  }
0xa8: {  	s7 =	sshll.u32 s26, $0x1;
	_ =	strace $0x80000046;
	[dreg:$0x1] =	wrdreg $0xFFFFFFFF  }
0xa9: {  	s28 =	simm.s32 $_size_execute0_lowered;
	s5 =	sadd.s32 s5, s7;
	[dreg:$0x0] =	wrdreg $0x0  }
0xaa: {  	s7 =	sshll.u32 s28, $0x1;
	[dreg:$0x2] =	wrdreg s5  }
0xab: {  	[dreg:$0x3] =	wrdreg s7  }
0xac: {  	[dreg:$0x4] =	wrdreg $0xC0  }
0xad: {  	_ =	task [dreg:s9], $0x5FFFF  }
0xae: {  	[dreg:$0x1] =	wrdreg $0xFFFFFFFF  }
0xaf: {  	[dreg:$0x0] =	wrdreg $0x60  }
0xb0: {  	[dreg:$0x2] =	wrdreg s2  }
0xb1: {  	[dreg:$0x3] =	wrdreg s18  }
0xb2: {  	[dreg:$0x4] =	wrdreg s24  }
0xb3: {  	[dreg:$0x5] =	wrdreg s4  }
0xb4: {  	[dreg:$0x6] =	wrdreg $0x9  }
0xb5: {  	_ =	task.clear_ibuf [dreg:s9], $0x7FFFF;
	_ =	strace $0x90000046  }
0xb6: {  	s29 =	simm.s32 $0x9;
	_ =	strace $0x80000048  }
0xb7: {  	_ =	swait.ge [sflag:s29], $0x1  }
0xb8: {  	[sflag:s29] =	ssyncadd.s32 $0xFFFFFFFF  }
0xb9: {  	_ =	strace $0x90000048  }
0xba: {  	_ =	sfence  }
0xbb: {  	s30 =	sld [smem:$0x0];
	_ =	sdelay $0x2  }
0xbc: {  	s31 =	sshll.u32 s1, $0xD;
	s1 =	sshrl.u32 s1, $0x2  }
0xbd: {  	s3 =	sand.u32 $0x4000, s31;
	s1 =	sadd.s32 s1, s30  }
0xbe: {  	s0 =	sor.u32 s3, s0;
	s1 =	sshll.u32 s1, $0x11  }
0xbf: {  	s0 =	sor.u32 s1, s0  }
0xc0: {  	s0 =	sadd.s32 $0x8F2B, s0  }
0xc1: {  	[sflag:s0] =	ssyncadd.remote.s32 $0x1  }
0xc2: {  	_ =	sfence.sel $0xFFFF  }
0xc3: {  	[dreg:$0x0] =	wrdreg $0xFFFFFFFF;
	(pc) =	sbr.abs _section_cstart, $3  }
0xc4: {  	[dreg:$0x1] =	wrdreg $0xFFFFFFFF  }
0xc5: {  	_ =	task.clear_ibuf [dreg:s9], $0x2FFFF;
	_ =	strace $0x9FFFFFFF  }
0xc6: {  	(tm) =	ssettm $0x7FFFFFFF  }
0xc7: {  	_ =	shalt  }
tec
execute0_lowered:
.L_overlay_start_1:
0x0: {  	(tag) =	ssettag $0x1  }
0x1: {  	s6 =	rddreg [dreg:$0x0]  }
0x2: {  	s7 =	rddreg [dreg:$0x1]  }
0x3: {  	s5 =	rddreg [dreg:$0x2]  }
0x4: {  	s8 =	rddreg [dreg:$0x3]  }
0x5: {  	s0 =	rddreg [dreg:$0x4];
	s1 =	simm.s32 $0x0  }
0x6: {  	s4 =	srdreg.scid;
	s2 =	stileid.u32;
	s13 =	simm.s32 $0x4600  }
0x7: {  	s14 =	simm.s32 $0x400;
	s15 =	simm.s32 $0x8600;
	s16 =	simm.s32 $0x1  }
0x8: {  	s17 =	simm.s32 $0xA600;
	s18 =	simm.s32 $0x0;
	[smem:$0x7FF] =	sst s1  }
0x9: {  	s3 =	sadd.s32 $0xF42800, s5;
	s4 =	sand.u32 $0x1, s4;
	s10 =	sshll.u32 s2, $0x7  }
0xa: {  	_ =	strace $0x80000047;
	s9 =	ssub.s32 $0x2, s4;
	s11 =	sshll.u32 s4, $0x6  }
0xb: {  	s4 =	sadd.s32 $0x186E00, s5;
	s5 =	sadd.s32 $0x400, s5;
	s12 =	sshrl.u32 s9, $0x1  }
0xc: {  	s10 =	sor.u32 s11, s10;
	s11 =	simm.s32 $0x200;
	s9 =	ssub.s32 s9, s12  }
0xd: {  	s6 =	sadd.s32 s6, s10;
	s7 =	sadd.s32 s7, s10;
	s8 =	sadd.s32 s8, s10  }
0xe: {  	v0 =	vlaneseq.u32;
	s10 =	simm.s32 $0x2;
	s12 =	simm.s32 $0x600;
	s9 =	smax.u32 s9, $0x1  }
.LBB2_1:
0xf: {  	[tilespmem:s1], [sflag:$0x2] =	stream.linear.gather [hbm4b:s6+s1], $0x200, $0x38;
	[tilespmem:$0xA800] =	vst v63  }
0x10: {  	_ =	swait.ge [sflag:s10], $0x200  }
0x11: {  	[sflag:s10] =	ssyncset.done $0x0  }
0x12: {  	[sflag:s10] =	ssyncadd.s32 $0xFFFFFE00  }
0x13: {  	[tilespmem:s11], [sflag:$0x2] =	stream.linear.gather [hbm4b:s7+s1], $0x200, $0x38;
	[tilespmem:$0xA800] =	vst v63  }
0x14: {  	_ =	swait.ge [sflag:s10], $0x200  }
0x15: {  	[sflag:s10] =	ssyncset.done $0x0  }
0x16: {  	[sflag:s10] =	ssyncadd.s32 $0xFFFFFE00  }
0x17: {  	[tilespmem:s12], [sflag:$0x1] =	stream.indirect.gather [hbm4b:s3+s11], $0x20, s1, s11, $0xb8;
	[tilespmem:$0xA800] =	vst v63  }
0x18: {  	s19 =	simm.s32 $0x0  }
0x19: {  	[tilespmem:s13], [sflag:$0x1] =	stream.indirect.gather [hbm4b:s4+s11], $0x20, s11, s11, $0xb8;
	[tilespmem:$0xA800] =	vst v63  }
0x1a: {  	s20 =	simm.s32 $0x40;
	v1 =	vld [tilespmem:s19+$0x200]  }
.LBB2_2:
0x1b: {  	p0 =	sne.s32 s20, $0x7C0  }
.Ltmp0:
0x1c: {  	_ = 	snop;
	(pc) =	sbr.rel @p0 .LBB2_2-.Ltmp0, $3  }
0x1d: {  	_ =	sdelay $0x1  }
0x1e: {  	s21 =	sshra.s32 s20, $0x2;
	s20 =	sadd.s32 $0x40, s20;
	v2 =	vshrl.u32 v1, $0x4  }
0x1f: {  	v1 =	vld [tilespmem:s21+$0x200];
	[tilespmem:s19+$0x400] =	vst v2;
	s19 =	smov.u32 s21  }
0x20: {  	_ =	sdelay $0x3  }
0x21: {  	v1 =	vshrl.u32 v1, $0x4  }
0x22: {  	s30 =	simm.s32 $0x200;
	[tilespmem:s19+$0x400] =	vst v1  }
0x23: {  	[tilespmem:s15], [sflag:$0x1] =	stream.indirect.gather [hbm4b:s5+s30], $0x10, s14, s30, $0xb8;
	[tilespmem:$0xA800] =	vst v63  }
0x24: {  	_ =	swait.ge [sflag:s16], $0x4000  }
0x25: {  	[sflag:s16] =	ssyncset.done $0x0  }
0x26: {  	[sflag:s16] =	ssyncadd.s32 $0xFFFFC000  }
0x27: {  	s20 =	simm.s32 $0x0;
	_ =	swait.ge [sflag:s16], $0x4000  }
0x28: {  	v1 =	vor.u32 s20, v0;
	[sflag:s16] =	ssyncset.done $0x0  }
0x29: {  	v3 =	vshll.u32 v1, $0x5;
	[sflag:s16] =	ssyncadd.s32 $0xFFFFC000  }
0x2a: {  	_ =	swait.ge [sflag:s16], $0x2000  }
0x2b: {  	v4 =	vor.u32 $0x1, v3;
	[sflag:s16] =	ssyncset.done $0x0  }
0x2c: {  	[sflag:s16] =	ssyncadd.s32 $0xFFFFE000  }
0x2d: {  	v5 =	vor.u32 $0x2, v3;
	v2 =	vld [tilespmem:s30+$0x0]  }
0x2e: {  	v6 =	vld.idx.msk [tilespmem:v3+s13+$0x0], $0xffff  }
0x2f: {  	v8 =	vor.u32 $0x3, v3;
	v7 =	vld.idx.msk [tilespmem:v3+s12+$0x0], $0xffff  }
0x30: {  	v9 =	vld.idx.msk [tilespmem:v4+s12+$0x0], $0xffff  }
0x31: {  	v10 =	vor.u32 $0x4, v3;
	v4 =	vld.idx.msk [tilespmem:v4+s13+$0x0], $0xffff  }
0x32: {  	v11 =	vld.idx.msk [tilespmem:v5+s12+$0x0], $0xffff  }
0x33: {  	v12 =	vor.u32 $0x5, v3;
	v5 =	vld.idx.msk [tilespmem:v5+s13+$0x0], $0xffff  }
0x34: {  	v13 =	vld.idx.msk [tilespmem:v8+s12+$0x0], $0xffff;
	v6 =	vmul.f32 v6, v7  }
0x35: {  	v28 =	vor.u32 $0x6, v3;
	v7 =	vld.idx.msk [tilespmem:v8+s13+$0x0], $0xffff  }
0x36: {  	v14 =	vld.idx.msk [tilespmem:v10+s12+$0x0], $0xffff;
	v4 =	vmul.f32 v4, v9;
	v6 =	vadd.f32 $0.0e+00, v6  }
0x37: {  	v30 =	vor.u32 $0x7, v3;
	v29 =	vld.idx.msk [tilespmem:v10+s13+$0x0], $0xffff  }
0x38: {  	v15 =	vld.idx.msk [tilespmem:v12+s12+$0x0], $0xffff;
	v5 =	vmul.f32 v5, v11;
	v4 =	vadd.f32 v4, v6  }
0x39: {  	v31 =	vor.u32 $0x8, v3;
	v6 =	vld.idx.msk [tilespmem:v12+s13+$0x0], $0xffff  }
0x3a: {  	v32 =	vld.idx.msk [tilespmem:v28+s12+$0x0], $0xffff;
	v4 =	vadd.f32 v5, v4;
	v5 =	vmul.f32 v7, v13  }
0x3b: {  	v33 =	vor.u32 $0x9, v3;
	v7 =	vld.idx.msk [tilespmem:v28+s13+$0x0], $0xffff  }
0x3c: {  	v34 =	vld.idx.msk [tilespmem:v30+s12+$0x0], $0xffff;
	v4 =	vadd.f32 v5, v4;
	v5 =	vmul.f32 v29, v14  }
0x3d: {  	v36 =	vor.u32 $0xA, v3;
	v35 =	vld.idx.msk [tilespmem:v30+s13+$0x0], $0xffff  }
0x3e: {  	v37 =	vld.idx.msk [tilespmem:v31+s12+$0x0], $0xffff;
	v4 =	vadd.f32 v5, v4;
	v5 =	vmul.f32 v6, v15  }
0x3f: {  	v38 =	vor.u32 $0xB, v3;
	v6 =	vld.idx.msk [tilespmem:v31+s13+$0x0], $0xffff  }
0x40: {  	v39 =	vld.idx.msk [tilespmem:v33+s12+$0x0], $0xffff;
	v4 =	vadd.f32 v5, v4;
	v5 =	vmul.f32 v7, v32  }
0x41: {  	v40 =	vor.u32 $0xC, v3;
	v7 =	vld.idx.msk [tilespmem:v33+s13+$0x0], $0xffff  }
0x42: {  	v41 =	vld.idx.msk [tilespmem:v36+s12+$0x0], $0xffff;
	v4 =	vadd.f32 v5, v4;
	v5 =	vmul.f32 v35, v34  }
0x43: {  	v43 =	vor.u32 $0xD, v3;
	v42 =	vld.idx.msk [tilespmem:v36+s13+$0x0], $0xffff  }
0x44: {  	v44 =	vld.idx.msk [tilespmem:v38+s12+$0x0], $0xffff;
	v4 =	vadd.f32 v5, v4;
	v5 =	vmul.f32 v6, v37  }
0x45: {  	v45 =	vor.u32 $0xE, v3;
	v6 =	vld.idx.msk [tilespmem:v38+s13+$0x0], $0xffff  }
0x46: {  	v46 =	vld.idx.msk [tilespmem:v40+s12+$0x0], $0xffff;
	v4 =	vadd.f32 v5, v4;
	v5 =	vmul.f32 v7, v39  }
0x47: {  	v47 =	vor.u32 $0xF, v3;
	v7 =	vld.idx.msk [tilespmem:v40+s13+$0x0], $0xffff  }
0x48: {  	v48 =	vld.idx.msk [tilespmem:v43+s12+$0x0], $0xffff;
	v4 =	vadd.f32 v5, v4;
	v5 =	vmul.f32 v42, v41  }
0x49: {  	v50 =	vor.u32 $0x10, v3;
	v49 =	vld.idx.msk [tilespmem:v43+s13+$0x0], $0xffff  }
0x4a: {  	v51 =	vld.idx.msk [tilespmem:v45+s12+$0x0], $0xffff;
	v4 =	vadd.f32 v5, v4;
	v5 =	vmul.f32 v6, v44  }
0x4b: {  	v52 =	vor.u32 $0x11, v3;
	v6 =	vld.idx.msk [tilespmem:v45+s13+$0x0], $0xffff  }
0x4c: {  	v53 =	vld.idx.msk [tilespmem:v47+s12+$0x0], $0xffff;
	v4 =	vadd.f32 v5, v4;
	v5 =	vmul.f32 v7, v46  }
0x4d: {  	v54 =	vor.u32 $0x12, v3;
	v7 =	vld.idx.msk [tilespmem:v47+s13+$0x0], $0xffff  }
0x4e: {  	v55 =	vld.idx.msk [tilespmem:v50+s12+$0x0], $0xffff;
	v4 =	vadd.f32 v5, v4;
	v5 =	vmul.f32 v49, v48  }
0x4f: {  	v57 =	vor.u32 $0x13, v3;
	v56 =	vld.idx.msk [tilespmem:v50+s13+$0x0], $0xffff  }
0x50: {  	v58 =	vld.idx.msk [tilespmem:v52+s12+$0x0], $0xffff;
	v4 =	vadd.f32 v5, v4;
	v5 =	vmul.f32 v6, v51  }
0x51: {  	v59 =	vor.u32 $0x14, v3;
	v6 =	vld.idx.msk [tilespmem:v52+s13+$0x0], $0xffff  }
0x52: {  	v60 =	vld.idx.msk [tilespmem:v54+s12+$0x0], $0xffff;
	v4 =	vadd.f32 v5, v4;
	v5 =	vmul.f32 v7, v53  }
0x53: {  	v61 =	vor.u32 $0x15, v3;
	v7 =	vld.idx.msk [tilespmem:v54+s13+$0x0], $0xffff  }
0x54: {  	v62 =	vld.idx.msk [tilespmem:v57+s12+$0x0], $0xffff;
	v4 =	vadd.f32 v5, v4;
	v5 =	vmul.f32 v56, v55  }
0x55: {  	v18 =	vor.u32 $0x16, v3;
	v63 =	vld.idx.msk [tilespmem:v57+s13+$0x0], $0xffff  }
0x56: {  	v19 =	vld.idx.msk [tilespmem:v59+s12+$0x0], $0xffff;
	v4 =	vadd.f32 v5, v4;
	v5 =	vmul.f32 v6, v58  }
0x57: {  	v20 =	vor.u32 $0x17, v3;
	v6 =	vld.idx.msk [tilespmem:v59+s13+$0x0], $0xffff  }
0x58: {  	v21 =	vld.idx.msk [tilespmem:v61+s12+$0x0], $0xffff;
	v4 =	vadd.f32 v5, v4;
	v5 =	vmul.f32 v7, v60  }
0x59: {  	v22 =	vor.u32 $0x18, v3;
	v7 =	vld.idx.msk [tilespmem:v61+s13+$0x0], $0xffff  }
0x5a: {  	v23 =	vld.idx.msk [tilespmem:v18+s12+$0x0], $0xffff;
	v4 =	vadd.f32 v5, v4;
	v5 =	vmul.f32 v63, v62  }
0x5b: {  	v25 =	vor.u32 $0x19, v3;
	v24 =	vld.idx.msk [tilespmem:v18+s13+$0x0], $0xffff  }
0x5c: {  	v26 =	vld.idx.msk [tilespmem:v20+s12+$0x0], $0xffff;
	v4 =	vadd.f32 v5, v4;
	v5 =	vmul.f32 v6, v19  }
0x5d: {  	v27 =	vor.u32 $0x1A, v3;
	v6 =	vld.idx.msk [tilespmem:v20+s13+$0x0], $0xffff  }
0x5e: {  	v28 =	vld.idx.msk [tilespmem:v22+s12+$0x0], $0xffff;
	v4 =	vadd.f32 v5, v4;
	v5 =	vmul.f32 v7, v21  }
0x5f: {  	v29 =	vor.u32 $0x1B, v3;
	v7 =	vld.idx.msk [tilespmem:v22+s13+$0x0], $0xffff  }
0x60: {  	v30 =	vld.idx.msk [tilespmem:v25+s12+$0x0], $0xffff;
	v4 =	vadd.f32 v5, v4;
	v5 =	vmul.f32 v24, v23  }
0x61: {  	v31 =	vld.idx.msk [tilespmem:v25+s13+$0x0], $0xffff;
	v32 =	vor.u32 $0x1C, v3  }
0x62: {  	v33 =	vld.idx.msk [tilespmem:v27+s12+$0x0], $0xffff;
	v4 =	vadd.f32 v5, v4;
	v5 =	vmul.f32 v6, v26  }
0x63: {  	v34 =	vor.u32 $0x1D, v3;
	v6 =	vld.idx.msk [tilespmem:v27+s13+$0x0], $0xffff  }
0x64: {  	v35 =	vld.idx.msk [tilespmem:v29+s12+$0x0], $0xffff;
	v4 =	vadd.f32 v5, v4;
	v5 =	vmul.f32 v7, v28  }
0x65: {  	v36 =	vor.u32 $0x1E, v3;
	v7 =	vld.idx.msk [tilespmem:v29+s13+$0x0], $0xffff  }
0x66: {  	v37 =	vld.idx.msk [tilespmem:v32+s12+$0x0], $0xffff;
	v4 =	vadd.f32 v5, v4;
	v5 =	vmul.f32 v31, v30  }
0x67: {  	v3 =	vor.u32 $0x1F, v3;
	v38 =	vld.idx.msk [tilespmem:v32+s13+$0x0], $0xffff  }
0x68: {  	v39 =	vld.idx.msk [tilespmem:v34+s12+$0x0], $0xffff;
	v4 =	vadd.f32 v5, v4;
	v5 =	vmul.f32 v6, v33  }
0x69: {  	v6 =	vld.idx.msk [tilespmem:v34+s13+$0x0], $0xffff  }
0x6a: {  	v40 =	vld.idx.msk [tilespmem:v36+s12+$0x0], $0xffff;
	v4 =	vadd.f32 v5, v4;
	v5 =	vmul.f32 v7, v35  }
0x6b: {  	v1 =	vshll.u32 v1, $0x4;
	v2 =	vand.u32 $0xF, v2;
	v7 =	vld.idx.msk [tilespmem:v36+s13+$0x0], $0xffff  }
0x6c: {  	v1 =	vor.u32 v1, v2;
	v41 =	vld.idx.msk [tilespmem:v3+s12+$0x0], $0xffff;
	v2 =	vadd.f32 v5, v4;
	v4 =	vmul.f32 v38, v37  }
0x6d: {  	v3 =	vld.idx.msk [tilespmem:v3+s13+$0x0], $0xffff  }
0x6e: {  	v2 =	vadd.f32 v4, v2;
	v4 =	vmul.f32 v6, v39;
	_ =	sdelay $0x1  }
0x6f: {  	v2 =	vadd.f32 v4, v2;
	v4 =	vmul.f32 v7, v40  }
0x70: {  	v5 =	vld.idx.msk [tilespmem:v1+s15+$0x0], $0xffff  }
0x71: {  	v3 =	vmul.f32 v3, v41;
	v2 =	vadd.f32 v4, v2  }
0x72: {  	s31 =	simm.s32 $0x10  }
0x73: {  	v1 =	vor.u32 s31, v0;
	v2 =	vadd.f32 v3, v2  }
0x74: {  	v3 =	vshll.u32 v1, $0x5  }
0x75: {  	v2 =	vadd.f32 v5, v2  }
0x76: {  	s19 =	simm.s32 $0xA600;
	v4 =	vor.u32 $0x1, v3  }
0x77: {  	s20 =	simm.s32 $0x210;
	[tilespmem:s19+$0x0] =	vst v2  }
0x78: {  	v42 =	vor.u32 $0x3, v3;
	v2 =	vld [tilespmem:s20+$0x0]  }
0x79: {  	v5 =	vor.u32 $0x2, v3;
	v6 =	vld.idx.msk [tilespmem:v3+s13+$0x0], $0xffff  }
0x7a: {  	v7 =	vld.idx.msk [tilespmem:v3+s12+$0x0], $0xffff  }
0x7b: {  	v44 =	vor.u32 $0x4, v3;
	v43 =	vld.idx.msk [tilespmem:v4+s12+$0x0], $0xffff  }
0x7c: {  	v4 =	vld.idx.msk [tilespmem:v4+s13+$0x0], $0xffff  }
0x7d: {  	v47 =	vld.idx.msk [tilespmem:v42+s12+$0x0], $0xffff  }
0x7e: {  	v46 =	vor.u32 $0x5, v3;
	v45 =	vld.idx.msk [tilespmem:v5+s12+$0x0], $0xffff  }
0x7f: {  	v48 =	vor.u32 $0x6, v3;
	v5 =	vld.idx.msk [tilespmem:v5+s13+$0x0], $0xffff  }
0x80: {  	v49 =	vld.idx.msk [tilespmem:v44+s12+$0x0], $0xffff;
	v6 =	vmul.f32 v6, v7  }
0x81: {  	v51 =	vor.u32 $0x7, v3;
	v7 =	vld.idx.msk [tilespmem:v42+s13+$0x0], $0xffff  }
0x82: {  	v50 =	vld.idx.msk [tilespmem:v44+s13+$0x0], $0xffff;
	v4 =	vmul.f32 v4, v43;
	v6 =	vadd.f32 $0.0e+00, v6  }
0x83: {  	v52 =	vld.idx.msk [tilespmem:v46+s12+$0x0], $0xffff  }
0x84: {  	v53 =	vor.u32 $0x8, v3;
	v54 =	vld.idx.msk [tilespmem:v48+s12+$0x0], $0xffff;
	v5 =	vmul.f32 v5, v45;
	v4 =	vadd.f32 v4, v6  }
0x85: {  	v55 =	vor.u32 $0x9, v3;
	v6 =	vld.idx.msk [tilespmem:v46+s13+$0x0], $0xffff  }
0x86: {  	v56 =	vld.idx.msk [tilespmem:v51+s12+$0x0], $0xffff;
	v4 =	vadd.f32 v5, v4;
	v5 =	vmul.f32 v7, v47  }
0x87: {  	v58 =	vor.u32 $0xA, v3;
	v7 =	vld.idx.msk [tilespmem:v48+s13+$0x0], $0xffff  }
0x88: {  	v57 =	vld.idx.msk [tilespmem:v51+s13+$0x0], $0xffff;
	v4 =	vadd.f32 v5, v4;
	v5 =	vmul.f32 v50, v49  }
0x89: {  	v59 =	vld.idx.msk [tilespmem:v53+s12+$0x0], $0xffff  }
0x8a: {  	v60 =	vor.u32 $0xB, v3;
	v61 =	vld.idx.msk [tilespmem:v55+s12+$0x0], $0xffff;
	v4 =	vadd.f32 v5, v4;
	v5 =	vmul.f32 v6, v52  }
0x8b: {  	v62 =	vor.u32 $0xC, v3;
	v6 =	vld.idx.msk [tilespmem:v53+s13+$0x0], $0xffff  }
0x8c: {  	v63 =	vld.idx.msk [tilespmem:v58+s12+$0x0], $0xffff;
	v4 =	vadd.f32 v5, v4;
	v5 =	vmul.f32 v7, v54  }
0x8d: {  	v19 =	vor.u32 $0xD, v3;
	v7 =	vld.idx.msk [tilespmem:v55+s13+$0x0], $0xffff  }
0x8e: {  	v18 =	vld.idx.msk [tilespmem:v58+s13+$0x0], $0xffff;
	v4 =	vadd.f32 v5, v4;
	v5 =	vmul.f32 v57, v56  }
0x8f: {  	v20 =	vld.idx.msk [tilespmem:v60+s12+$0x0], $0xffff  }
0x90: {  	v21 =	vor.u32 $0xE, v3;
	v22 =	vld.idx.msk [tilespmem:v62+s12+$0x0], $0xffff;
	v4 =	vadd.f32 v5, v4;
	v5 =	vmul.f32 v6, v59  }
0x91: {  	v23 =	vor.u32 $0xF, v3;
	v6 =	vld.idx.msk [tilespmem:v60+s13+$0x0], $0xffff  }
0x92: {  	v24 =	vld.idx.msk [tilespmem:v19+s12+$0x0], $0xffff;
	v4 =	vadd.f32 v5, v4;
	v5 =	vmul.f32 v7, v61  }
0x93: {  	v26 =	vor.u32 $0x10, v3;
	v7 =	vld.idx.msk [tilespmem:v62+s13+$0x0], $0xffff  }
0x94: {  	v25 =	vld.idx.msk [tilespmem:v19+s13+$0x0], $0xffff;
	v4 =	vadd.f32 v5, v4;
	v5 =	vmul.f32 v18, v63  }
0x95: {  	v27 =	vld.idx.msk [tilespmem:v21+s12+$0x0], $0xffff  }
0x96: {  	v28 =	vor.u32 $0x11, v3;
	v29 =	vld.idx.msk [tilespmem:v23+s12+$0x0], $0xffff;
	v4 =	vadd.f32 v5, v4;
	v5 =	vmul.f32 v6, v20  }
0x97: {  	v30 =	vor.u32 $0x12, v3;
	v6 =	vld.idx.msk [tilespmem:v21+s13+$0x0], $0xffff  }
0x98: {  	v31 =	vld.idx.msk [tilespmem:v26+s12+$0x0], $0xffff;
	v4 =	vadd.f32 v5, v4;
	v5 =	vmul.f32 v7, v22  }
0x99: {  	v33 =	vor.u32 $0x13, v3;
	v7 =	vld.idx.msk [tilespmem:v23+s13+$0x0], $0xffff  }
0x9a: {  	v32 =	vld.idx.msk [tilespmem:v26+s13+$0x0], $0xffff;
	v4 =	vadd.f32 v5, v4;
	v5 =	vmul.f32 v25, v24  }
0x9b: {  	v34 =	vld.idx.msk [tilespmem:v28+s12+$0x0], $0xffff  }
0x9c: {  	v35 =	vor.u32 $0x14, v3;
	v36 =	vld.idx.msk [tilespmem:v30+s12+$0x0], $0xffff;
	v4 =	vadd.f32 v5, v4;
	v5 =	vmul.f32 v6, v27  }
0x9d: {  	v37 =	vor.u32 $0x15, v3;
	v6 =	vld.idx.msk [tilespmem:v28+s13+$0x0], $0xffff  }
0x9e: {  	v38 =	vld.idx.msk [tilespmem:v33+s12+$0x0], $0xffff;
	v4 =	vadd.f32 v5, v4;
	v5 =	vmul.f32 v7, v29  }
0x9f: {  	v40 =	vor.u32 $0x16, v3;
	v7 =	vld.idx.msk [tilespmem:v30+s13+$0x0], $0xffff  }
0xa0: {  	v39 =	vld.idx.msk [tilespmem:v33+s13+$0x0], $0xffff;
	v4 =	vadd.f32 v5, v4;
	v5 =	vmul.f32 v32, v31  }
0xa1: {  	v41 =	vld.idx.msk [tilespmem:v35+s12+$0x0], $0xffff  }
0xa2: {  	v42 =	vor.u32 $0x17, v3;
	v43 =	vld.idx.msk [tilespmem:v37+s12+$0x0], $0xffff;
	v4 =	vadd.f32 v5, v4;
	v5 =	vmul.f32 v6, v34  }
0xa3: {  	v44 =	vor.u32 $0x18, v3;
	v6 =	vld.idx.msk [tilespmem:v35+s13+$0x0], $0xffff  }
0xa4: {  	v45 =	vld.idx.msk [tilespmem:v40+s12+$0x0], $0xffff;
	v4 =	vadd.f32 v5, v4;
	v5 =	vmul.f32 v7, v36  }
0xa5: {  	v47 =	vor.u32 $0x19, v3;
	v7 =	vld.idx.msk [tilespmem:v37+s13+$0x0], $0xffff  }
0xa6: {  	v46 =	vld.idx.msk [tilespmem:v40+s13+$0x0], $0xffff;
	v4 =	vadd.f32 v5, v4;
	v5 =	vmul.f32 v39, v38  }
0xa7: {  	v48 =	vld.idx.msk [tilespmem:v42+s12+$0x0], $0xffff  }
0xa8: {  	v49 =	vor.u32 $0x1A, v3;
	v50 =	vld.idx.msk [tilespmem:v44+s12+$0x0], $0xffff;
	v4 =	vadd.f32 v5, v4;
	v5 =	vmul.f32 v6, v41  }
0xa9: {  	v51 =	vor.u32 $0x1B, v3;
	v6 =	vld.idx.msk [tilespmem:v42+s13+$0x0], $0xffff  }
0xaa: {  	v52 =	vld.idx.msk [tilespmem:v47+s12+$0x0], $0xffff;
	v4 =	vadd.f32 v5, v4;
	v5 =	vmul.f32 v7, v43  }
0xab: {  	v54 =	vor.u32 $0x1C, v3;
	v7 =	vld.idx.msk [tilespmem:v44+s13+$0x0], $0xffff  }
0xac: {  	v53 =	vld.idx.msk [tilespmem:v47+s13+$0x0], $0xffff;
	v4 =	vadd.f32 v5, v4;
	v5 =	vmul.f32 v46, v45  }
0xad: {  	v55 =	vld.idx.msk [tilespmem:v49+s12+$0x0], $0xffff  }
0xae: {  	v58 =	vor.u32 $0x1E, v3;
	v57 =	vld.idx.msk [tilespmem:v51+s12+$0x0], $0xffff;
	v4 =	vadd.f32 v5, v4;
	v5 =	vmul.f32 v6, v48  }
0xaf: {  	v56 =	vor.u32 $0x1D, v3;
	v6 =	vld.idx.msk [tilespmem:v49+s13+$0x0], $0xffff  }
0xb0: {  	v59 =	vld.idx.msk [tilespmem:v54+s12+$0x0], $0xffff;
	v4 =	vadd.f32 v5, v4;
	v5 =	vmul.f32 v7, v50  }
0xb1: {  	v3 =	vor.u32 $0x1F, v3;
	v7 =	vld.idx.msk [tilespmem:v51+s13+$0x0], $0xffff  }
0xb2: {  	v60 =	vld.idx.msk [tilespmem:v54+s13+$0x0], $0xffff;
	v4 =	vadd.f32 v5, v4;
	v5 =	vmul.f32 v53, v52  }
0xb3: {  	v62 =	vld.idx.msk [tilespmem:v58+s12+$0x0], $0xffff  }
0xb4: {  	v61 =	vld.idx.msk [tilespmem:v56+s12+$0x0], $0xffff;
	v4 =	vadd.f32 v5, v4;
	v5 =	vmul.f32 v6, v55  }
0xb5: {  	v6 =	vld.idx.msk [tilespmem:v56+s13+$0x0], $0xffff  }
0xb6: {  	v63 =	vld.idx.msk [tilespmem:v3+s12+$0x0], $0xffff;
	v4 =	vadd.f32 v5, v4;
	v5 =	vmul.f32 v7, v57  }
0xb7: {  	v1 =	vshll.u32 v1, $0x4;
	v2 =	vand.u32 $0xF, v2;
	v7 =	vld.idx.msk [tilespmem:v58+s13+$0x0], $0xffff  }
0xb8: {  	v2 =	vor.u32 v1, v2;
	v3 =	vld.idx.msk [tilespmem:v3+s13+$0x0], $0xffff;
	v4 =	vadd.f32 v5, v4;
	v5 =	vmul.f32 v60, v59;
	_ =	sdelay $0x1  }
0xb9: {  	v4 =	vadd.f32 v5, v4;
	v5 =	vmul.f32 v6, v61;
	_ =	sdelay $0x1  }
0xba: {  	v1 =	vadd.f32 v5, v4;
	v4 =	vmul.f32 v7, v62  }
0xbb: {  	v5 =	vmul.f32 v3, v63;
	v3 =	vld.idx.msk [tilespmem:v2+s15+$0x0], $0xffff  }
0xbc: {  	v4 =	vadd.f32 v4, v1  }
0xbd: {  	s21 =	simm.s32 $0x20  }
0xbe: {  	v1 =	vor.u32 s21, v0;
	v4 =	vadd.f32 v5, v4  }
0xbf: {  	s21 =	simm.s32 $0x30;
	v2 =	vshll.u32 v1, $0x5  }
.LBB2_4:
0xc0: {  	p0 =	sne.s32 s21, $0x1F0;
	v3 =	vadd.f32 v3, v4  }
0xc1: {  	v4 =	vor.u32 $0x1, v2;
	s19 =	sadd.s32 $0x10, s19  }
0xc2: {  	s20 =	sadd.s32 $0x10, s20;
	[tilespmem:s19+$0x0] =	vst v3  }
0xc3: {  	v5 =	vor.u32 $0x2, v2;
	v3 =	vld [tilespmem:s20+$0x0]  }
0xc4: {  	v6 =	vld.idx.msk [tilespmem:v2+s13+$0x0], $0xffff  }
0xc5: {  	v8 =	vor.u32 $0x3, v2;
	v7 =	vld.idx.msk [tilespmem:v2+s12+$0x0], $0xffff  }
0xc6: {  	v9 =	vld.idx.msk [tilespmem:v4+s12+$0x0], $0xffff  }
0xc7: {  	v10 =	vor.u32 $0x4, v2;
	v4 =	vld.idx.msk [tilespmem:v4+s13+$0x0], $0xffff  }
0xc8: {  	v11 =	vld.idx.msk [tilespmem:v5+s12+$0x0], $0xffff  }
0xc9: {  	v12 =	vor.u32 $0x5, v2;
	v5 =	vld.idx.msk [tilespmem:v5+s13+$0x0], $0xffff  }
0xca: {  	v13 =	vld.idx.msk [tilespmem:v8+s12+$0x0], $0xffff  }
0xcb: {  	v6 =	vmul.f32 v6, v7;
	v7 =	vld.idx.msk [tilespmem:v8+s13+$0x0], $0xffff;
	v8 =	vor.u32 $0x6, v2  }
0xcc: {  	v14 =	vld.idx.msk [tilespmem:v10+s12+$0x0], $0xffff  }
0xcd: {  	v6 =	vadd.f32 $0.0e+00, v6;
	v4 =	vmul.f32 v4, v9;
	v9 =	vld.idx.msk [tilespmem:v10+s13+$0x0], $0xffff;
	v10 =	vor.u32 $0x7, v2  }
0xce: {  	v15 =	vld.idx.msk [tilespmem:v12+s12+$0x0], $0xffff  }
0xcf: {  	v4 =	vadd.f32 v4, v6;
	v5 =	vmul.f32 v5, v11;
	v11 =	vor.u32 $0x8, v2;
	v6 =	vld.idx.msk [tilespmem:v12+s13+$0x0], $0xffff  }
0xd0: {  	v12 =	vld.idx.msk [tilespmem:v8+s12+$0x0], $0xffff  }
0xd1: {  	v4 =	vadd.f32 v5, v4;
	v5 =	vmul.f32 v7, v13;
	v7 =	vld.idx.msk [tilespmem:v8+s13+$0x0], $0xffff;
	v8 =	vor.u32 $0x9, v2  }
0xd2: {  	v13 =	vld.idx.msk [tilespmem:v10+s12+$0x0], $0xffff  }
0xd3: {  	v4 =	vadd.f32 v5, v4;
	v5 =	vmul.f32 v9, v14;
	v9 =	vld.idx.msk [tilespmem:v10+s13+$0x0], $0xffff;
	v10 =	vor.u32 $0xA, v2  }
0xd4: {  	v14 =	vld.idx.msk [tilespmem:v11+s12+$0x0], $0xffff  }
0xd5: {  	v4 =	vadd.f32 v5, v4;
	v5 =	vmul.f32 v6, v15;
	v6 =	vld.idx.msk [tilespmem:v11+s13+$0x0], $0xffff;
	v11 =	vor.u32 $0xB, v2  }
0xd6: {  	v15 =	vld.idx.msk [tilespmem:v8+s12+$0x0], $0xffff  }
0xd7: {  	v4 =	vadd.f32 v5, v4;
	v5 =	vmul.f32 v7, v12;
	v7 =	vld.idx.msk [tilespmem:v8+s13+$0x0], $0xffff;
	v8 =	vor.u32 $0xC, v2  }
0xd8: {  	v12 =	vld.idx.msk [tilespmem:v10+s12+$0x0], $0xffff  }
0xd9: {  	v4 =	vadd.f32 v5, v4;
	v5 =	vmul.f32 v9, v13;
	v9 =	vld.idx.msk [tilespmem:v10+s13+$0x0], $0xffff;
	v10 =	vor.u32 $0xD, v2  }
0xda: {  	v13 =	vld.idx.msk [tilespmem:v11+s12+$0x0], $0xffff  }
0xdb: {  	v4 =	vadd.f32 v5, v4;
	v5 =	vmul.f32 v6, v14;
	v6 =	vld.idx.msk [tilespmem:v11+s13+$0x0], $0xffff;
	v11 =	vor.u32 $0xE, v2  }
0xdc: {  	v14 =	vld.idx.msk [tilespmem:v8+s12+$0x0], $0xffff  }
0xdd: {  	v4 =	vadd.f32 v5, v4;
	v5 =	vmul.f32 v7, v15;
	v7 =	vld.idx.msk [tilespmem:v8+s13+$0x0], $0xffff;
	v8 =	vor.u32 $0xF, v2  }
0xde: {  	v15 =	vld.idx.msk [tilespmem:v10+s12+$0x0], $0xffff  }
0xdf: {  	v4 =	vadd.f32 v5, v4;
	v5 =	vmul.f32 v9, v12;
	v9 =	vld.idx.msk [tilespmem:v10+s13+$0x0], $0xffff;
	v10 =	vor.u32 $0x10, v2  }
0xe0: {  	v12 =	vld.idx.msk [tilespmem:v11+s12+$0x0], $0xffff  }
0xe1: {  	v4 =	vadd.f32 v5, v4;
	v5 =	vmul.f32 v6, v13;
	v6 =	vld.idx.msk [tilespmem:v11+s13+$0x0], $0xffff;
	v11 =	vor.u32 $0x11, v2  }
0xe2: {  	v13 =	vld.idx.msk [tilespmem:v8+s12+$0x0], $0xffff  }
0xe3: {  	v4 =	vadd.f32 v5, v4;
	v5 =	vmul.f32 v7, v14;
	v7 =	vld.idx.msk [tilespmem:v8+s13+$0x0], $0xffff;
	v8 =	vor.u32 $0x12, v2  }
0xe4: {  	v14 =	vld.idx.msk [tilespmem:v10+s12+$0x0], $0xffff  }
0xe5: {  	v4 =	vadd.f32 v5, v4;
	v5 =	vmul.f32 v9, v15;
	v9 =	vld.idx.msk [tilespmem:v10+s13+$0x0], $0xffff;
	v10 =	vor.u32 $0x13, v2  }
0xe6: {  	v15 =	vld.idx.msk [tilespmem:v11+s12+$0x0], $0xffff  }
0xe7: {  	v4 =	vadd.f32 v5, v4;
	v5 =	vmul.f32 v6, v12;
	v6 =	vld.idx.msk [tilespmem:v11+s13+$0x0], $0xffff;
	v11 =	vor.u32 $0x14, v2  }
0xe8: {  	v12 =	vld.idx.msk [tilespmem:v8+s12+$0x0], $0xffff  }
0xe9: {  	v4 =	vadd.f32 v5, v4;
	v5 =	vmul.f32 v7, v13;
	v7 =	vld.idx.msk [tilespmem:v8+s13+$0x0], $0xffff;
	v8 =	vor.u32 $0x15, v2  }
0xea: {  	v13 =	vld.idx.msk [tilespmem:v10+s12+$0x0], $0xffff  }
0xeb: {  	v4 =	vadd.f32 v5, v4;
	v5 =	vmul.f32 v9, v14;
	v9 =	vld.idx.msk [tilespmem:v10+s13+$0x0], $0xffff;
	v10 =	vor.u32 $0x16, v2  }
0xec: {  	v14 =	vld.idx.msk [tilespmem:v11+s12+$0x0], $0xffff  }
0xed: {  	v4 =	vadd.f32 v5, v4;
	v5 =	vmul.f32 v6, v15;
	v6 =	vld.idx.msk [tilespmem:v11+s13+$0x0], $0xffff;
	v11 =	vor.u32 $0x17, v2  }
0xee: {  	v15 =	vld.idx.msk [tilespmem:v8+s12+$0x0], $0xffff  }
0xef: {  	v4 =	vadd.f32 v5, v4;
	v5 =	vmul.f32 v7, v12;
	v7 =	vld.idx.msk [tilespmem:v8+s13+$0x0], $0xffff;
	v8 =	vor.u32 $0x18, v2  }
0xf0: {  	v12 =	vld.idx.msk [tilespmem:v10+s12+$0x0], $0xffff  }
0xf1: {  	v4 =	vadd.f32 v5, v4;
	v5 =	vmul.f32 v9, v13;
	v9 =	vld.idx.msk [tilespmem:v10+s13+$0x0], $0xffff;
	v10 =	vor.u32 $0x19, v2  }
0xf2: {  	v13 =	vld.idx.msk [tilespmem:v11+s12+$0x0], $0xffff  }
0xf3: {  	v4 =	vadd.f32 v5, v4;
	v5 =	vmul.f32 v6, v14;
	v6 =	vld.idx.msk [tilespmem:v11+s13+$0x0], $0xffff;
	v11 =	vor.u32 $0x1A, v2  }
0xf4: {  	v14 =	vld.idx.msk [tilespmem:v8+s12+$0x0], $0xffff  }
0xf5: {  	v4 =	vadd.f32 v5, v4;
	v5 =	vmul.f32 v7, v15;
	v7 =	vld.idx.msk [tilespmem:v8+s13+$0x0], $0xffff;
	v8 =	vor.u32 $0x1B, v2  }
0xf6: {  	v15 =	vld.idx.msk [tilespmem:v10+s12+$0x0], $0xffff  }
0xf7: {  	v4 =	vadd.f32 v5, v4;
	v5 =	vmul.f32 v9, v12;
	v9 =	vld.idx.msk [tilespmem:v10+s13+$0x0], $0xffff;
	v10 =	vor.u32 $0x1C, v2  }
0xf8: {  	v12 =	vld.idx.msk [tilespmem:v11+s12+$0x0], $0xffff  }
0xf9: {  	v4 =	vadd.f32 v5, v4;
	v5 =	vmul.f32 v6, v13;
	v6 =	vld.idx.msk [tilespmem:v11+s13+$0x0], $0xffff;
	v11 =	vor.u32 $0x1D, v2  }
0xfa: {  	v13 =	vld.idx.msk [tilespmem:v8+s12+$0x0], $0xffff  }
0xfb: {  	v4 =	vadd.f32 v5, v4;
	v5 =	vmul.f32 v7, v14;
	v7 =	vld.idx.msk [tilespmem:v8+s13+$0x0], $0xffff;
	v8 =	vor.u32 $0x1E, v2  }
0xfc: {  	v14 =	vld.idx.msk [tilespmem:v10+s12+$0x0], $0xffff  }
0xfd: {  	v2 =	vor.u32 $0x1F, v2;
	v4 =	vadd.f32 v5, v4;
	v5 =	vmul.f32 v9, v15;
	v9 =	vld.idx.msk [tilespmem:v10+s13+$0x0], $0xffff  }
0xfe: {  	v10 =	vld.idx.msk [tilespmem:v11+s12+$0x0], $0xffff  }
0xff: {  	v4 =	vadd.f32 v5, v4;
	v5 =	vmul.f32 v6, v12;
	v6 =	vld.idx.msk [tilespmem:v11+s13+$0x0], $0xffff  }
0x100: {  	v1 =	vshll.u32 v1, $0x4;
	v11 =	vld.idx.msk [tilespmem:v8+s12+$0x0], $0xffff  }
0x101: {  	v3 =	vand.u32 $0xF, v3;
	v4 =	vadd.f32 v5, v4;
	v5 =	vmul.f32 v7, v13;
	v7 =	vld.idx.msk [tilespmem:v8+s13+$0x0], $0xffff  }
0x102: {  	v1 =	vor.u32 v1, v3;
	v8 =	vld.idx.msk [tilespmem:v2+s12+$0x0], $0xffff  }
0x103: {  	v3 =	vadd.f32 v5, v4;
	v4 =	vmul.f32 v9, v14;
	v2 =	vld.idx.msk [tilespmem:v2+s13+$0x0], $0xffff;
	_ =	sdelay $0x1  }
0x104: {  	v3 =	vadd.f32 v4, v3;
	v4 =	vmul.f32 v6, v10;
	_ =	sdelay $0x1  }
0x105: {  	v4 =	vadd.f32 v4, v3;
	v5 =	vmul.f32 v7, v11;
	v3 =	vld.idx.msk [tilespmem:v1+s15+$0x0], $0xffff  }
.Ltmp1:
0x106: {  	(pc) =	sbr.rel @p0 .LBB2_4-.Ltmp1, $3  }
0x107: {  	v4 =	vadd.f32 v5, v4;
	v2 =	vmul.f32 v2, v8;
	_ =	sdelay $0x1  }
0x108: {  	v1 =	vor.u32 s21, v0;
	v4 =	vadd.f32 v2, v4  }
0x109: {  	s21 =	sadd.s32 $0x10, s21;
	v2 =	vshll.u32 v1, $0x5  }
0x10a: {  	v3 =	vadd.f32 v3, v4  }
0x10b: {  	v48 =	vor.u32 $0x1, v2;
	s19 =	sadd.s32 $0x10, s19  }
0x10c: {  	s20 =	sadd.s32 $0x10, s20;
	[tilespmem:s19+$0x0] =	vst v3  }
0x10d: {  	v5 =	vor.u32 $0x2, v2;
	v3 =	vld [tilespmem:s20+$0x0]  }
0x10e: {  	v6 =	vld.idx.msk [tilespmem:v2+s13+$0x0], $0xffff  }
0x10f: {  	v8 =	vor.u32 $0x3, v2;
	v7 =	vld.idx.msk [tilespmem:v2+s12+$0x0], $0xffff  }
0x110: {  	v9 =	vld.idx.msk [tilespmem:v48+s12+$0x0], $0xffff  }
0x111: {  	v10 =	vor.u32 $0x4, v2;
	v4 =	vld.idx.msk [tilespmem:v48+s13+$0x0], $0xffff  }
0x112: {  	v11 =	vld.idx.msk [tilespmem:v5+s12+$0x0], $0xffff  }
0x113: {  	v12 =	vor.u32 $0x5, v2;
	v5 =	vld.idx.msk [tilespmem:v5+s13+$0x0], $0xffff  }
0x114: {  	v13 =	vld.idx.msk [tilespmem:v8+s12+$0x0], $0xffff;
	v6 =	vmul.f32 v6, v7  }
0x115: {  	v50 =	vor.u32 $0x6, v2;
	v49 =	vld.idx.msk [tilespmem:v8+s13+$0x0], $0xffff  }
0x116: {  	v14 =	vld.idx.msk [tilespmem:v10+s12+$0x0], $0xffff;
	v6 =	vadd.f32 $0.0e+00, v6;
	v4 =	vmul.f32 v4, v9  }
0x117: {  	v52 =	vor.u32 $0x7, v2;
	v51 =	vld.idx.msk [tilespmem:v10+s13+$0x0], $0xffff  }
0x118: {  	v15 =	vld.idx.msk [tilespmem:v12+s12+$0x0], $0xffff;
	v5 =	vmul.f32 v5, v11;
	v4 =	vadd.f32 v4, v6  }
0x119: {  	v54 =	vor.u32 $0x8, v2;
	v53 =	vld.idx.msk [tilespmem:v12+s13+$0x0], $0xffff  }
0x11a: {  	v55 =	vld.idx.msk [tilespmem:v50+s12+$0x0], $0xffff;
	v56 =	vmul.f32 v49, v13;
	v4 =	vadd.f32 v5, v4  }
0x11b: {  	v58 =	vor.u32 $0x9, v2;
	v57 =	vld.idx.msk [tilespmem:v50+s13+$0x0], $0xffff  }
0x11c: {  	v59 =	vld.idx.msk [tilespmem:v52+s12+$0x0], $0xffff;
	v60 =	vmul.f32 v51, v14;
	v4 =	vadd.f32 v56, v4  }
0x11d: {  	v62 =	vor.u32 $0xA, v2;
	v61 =	vld.idx.msk [tilespmem:v52+s13+$0x0], $0xffff  }
0x11e: {  	v63 =	vld.idx.msk [tilespmem:v54+s12+$0x0], $0xffff;
	v18 =	vmul.f32 v53, v15;
	v4 =	vadd.f32 v60, v4  }
0x11f: {  	v20 =	vor.u32 $0xB, v2;
	v19 =	vld.idx.msk [tilespmem:v54+s13+$0x0], $0xffff  }
0x120: {  	v21 =	vld.idx.msk [tilespmem:v58+s12+$0x0], $0xffff;
	v22 =	vmul.f32 v57, v55;
	v4 =	vadd.f32 v18, v4  }
0x121: {  	v24 =	vor.u32 $0xC, v2;
	v23 =	vld.idx.msk [tilespmem:v58+s13+$0x0], $0xffff  }
0x122: {  	v25 =	vld.idx.msk [tilespmem:v62+s12+$0x0], $0xffff;
	v26 =	vmul.f32 v61, v59;
	v4 =	vadd.f32 v22, v4  }
0x123: {  	v28 =	vor.u32 $0xD, v2;
	v27 =	vld.idx.msk [tilespmem:v62+s13+$0x0], $0xffff  }
0x124: {  	v29 =	vld.idx.msk [tilespmem:v20+s12+$0x0], $0xffff;
	v30 =	vmul.f32 v19, v63;
	v4 =	vadd.f32 v26, v4  }
0x125: {  	v32 =	vor.u32 $0xE, v2;
	v31 =	vld.idx.msk [tilespmem:v20+s13+$0x0], $0xffff  }
0x126: {  	v33 =	vld.idx.msk [tilespmem:v24+s12+$0x0], $0xffff;
	v34 =	vmul.f32 v23, v21;
	v4 =	vadd.f32 v30, v4  }
0x127: {  	v36 =	vor.u32 $0xF, v2;
	v35 =	vld.idx.msk [tilespmem:v24+s13+$0x0], $0xffff  }
0x128: {  	v37 =	vld.idx.msk [tilespmem:v28+s12+$0x0], $0xffff;
	v38 =	vmul.f32 v27, v25;
	v4 =	vadd.f32 v34, v4  }
0x129: {  	v40 =	vor.u32 $0x10, v2;
	v39 =	vld.idx.msk [tilespmem:v28+s13+$0x0], $0xffff  }
0x12a: {  	v41 =	vld.idx.msk [tilespmem:v32+s12+$0x0], $0xffff;
	v42 =	vmul.f32 v31, v29;
	v4 =	vadd.f32 v38, v4  }
0x12b: {  	v44 =	vor.u32 $0x11, v2;
	v43 =	vld.idx.msk [tilespmem:v32+s13+$0x0], $0xffff  }
0x12c: {  	v45 =	vld.idx.msk [tilespmem:v36+s12+$0x0], $0xffff;
	v46 =	vmul.f32 v35, v33;
	v4 =	vadd.f32 v42, v4  }
0x12d: {  	v47 =	vld.idx.msk [tilespmem:v36+s13+$0x0], $0xffff;
	v48 =	vor.u32 $0x12, v2  }
0x12e: {  	v49 =	vld.idx.msk [tilespmem:v40+s12+$0x0], $0xffff;
	v50 =	vmul.f32 v39, v37;
	v4 =	vadd.f32 v46, v4  }
0x12f: {  	v52 =	vor.u32 $0x13, v2;
	v51 =	vld.idx.msk [tilespmem:v40+s13+$0x0], $0xffff  }
0x130: {  	v53 =	vld.idx.msk [tilespmem:v44+s12+$0x0], $0xffff;
	v54 =	vmul.f32 v43, v41;
	v4 =	vadd.f32 v50, v4  }
0x131: {  	v55 =	vld.idx.msk [tilespmem:v44+s13+$0x0], $0xffff;
	v56 =	vor.u32 $0x14, v2  }
0x132: {  	v57 =	vld.idx.msk [tilespmem:v48+s12+$0x0], $0xffff;
	v58 =	vmul.f32 v47, v45;
	v4 =	vadd.f32 v54, v4  }
0x133: {  	v59 =	vld.idx.msk [tilespmem:v48+s13+$0x0], $0xffff;
	v60 =	vor.u32 $0x15, v2  }
0x134: {  	v61 =	vld.idx.msk [tilespmem:v52+s12+$0x0], $0xffff;
	v62 =	vmul.f32 v51, v49;
	v4 =	vadd.f32 v58, v4  }
0x135: {  	v63 =	vld.idx.msk [tilespmem:v52+s13+$0x0], $0xffff;
	v18 =	vor.u32 $0x16, v2  }
0x136: {  	v20 =	vmul.f32 v55, v53;
	v19 =	vld.idx.msk [tilespmem:v56+s12+$0x0], $0xffff;
	v4 =	vadd.f32 v62, v4  }
0x137: {  	v21 =	vld.idx.msk [tilespmem:v56+s13+$0x0], $0xffff;
	v22 =	vor.u32 $0x17, v2  }
0x138: {  	v24 =	vmul.f32 v59, v57;
	v23 =	vld.idx.msk [tilespmem:v60+s12+$0x0], $0xffff;
	v4 =	vadd.f32 v20, v4  }
0x139: {  	v25 =	vld.idx.msk [tilespmem:v60+s13+$0x0], $0xffff;
	v26 =	vor.u32 $0x18, v2  }
0x13a: {  	v28 =	vmul.f32 v63, v61;
	v27 =	vld.idx.msk [tilespmem:v18+s12+$0x0], $0xffff;
	v4 =	vadd.f32 v24, v4  }
0x13b: {  	v29 =	vld.idx.msk [tilespmem:v18+s13+$0x0], $0xffff;
	v30 =	vor.u32 $0x19, v2  }
0x13c: {  	v32 =	vmul.f32 v21, v19;
	v31 =	vld.idx.msk [tilespmem:v22+s12+$0x0], $0xffff;
	v4 =	vadd.f32 v28, v4  }
0x13d: {  	v33 =	vld.idx.msk [tilespmem:v22+s13+$0x0], $0xffff;
	v34 =	vor.u32 $0x1A, v2  }
0x13e: {  	v36 =	vmul.f32 v25, v23;
	v35 =	vld.idx.msk [tilespmem:v26+s12+$0x0], $0xffff;
	v4 =	vadd.f32 v32, v4  }
0x13f: {  	v37 =	vld.idx.msk [tilespmem:v26+s13+$0x0], $0xffff;
	v38 =	vor.u32 $0x1B, v2  }
0x140: {  	v40 =	vmul.f32 v29, v27;
	v39 =	vld.idx.msk [tilespmem:v30+s12+$0x0], $0xffff;
	v4 =	vadd.f32 v36, v4  }
0x141: {  	v41 =	vld.idx.msk [tilespmem:v30+s13+$0x0], $0xffff;
	v42 =	vor.u32 $0x1C, v2  }
0x142: {  	v44 =	vmul.f32 v33, v31;
	v43 =	vld.idx.msk [tilespmem:v34+s12+$0x0], $0xffff;
	v4 =	vadd.f32 v40, v4  }
0x143: {  	v45 =	vld.idx.msk [tilespmem:v34+s13+$0x0], $0xffff;
	v46 =	vor.u32 $0x1D, v2  }
0x144: {  	v48 =	vmul.f32 v37, v35;
	v47 =	vld.idx.msk [tilespmem:v38+s12+$0x0], $0xffff;
	v4 =	vadd.f32 v44, v4  }
0x145: {  	v49 =	vld.idx.msk [tilespmem:v38+s13+$0x0], $0xffff;
	v50 =	vor.u32 $0x1E, v2  }
0x146: {  	v52 =	vmul.f32 v41, v39;
	v51 =	vld.idx.msk [tilespmem:v42+s12+$0x0], $0xffff;
	v4 =	vadd.f32 v48, v4  }
0x147: {  	v2 =	vor.u32 $0x1F, v2;
	v53 =	vld.idx.msk [tilespmem:v42+s13+$0x0], $0xffff  }
0x148: {  	v55 =	vmul.f32 v45, v43;
	v54 =	vld.idx.msk [tilespmem:v46+s12+$0x0], $0xffff;
	v4 =	vadd.f32 v52, v4  }
0x149: {  	v56 =	vld.idx.msk [tilespmem:v46+s13+$0x0], $0xffff  }
0x14a: {  	v58 =	vmul.f32 v49, v47;
	v57 =	vld.idx.msk [tilespmem:v50+s12+$0x0], $0xffff;
	v4 =	vadd.f32 v55, v4  }
0x14b: {  	v1 =	vshll.u32 v1, $0x4;
	v3 =	vand.u32 $0xF, v3;
	v59 =	vld.idx.msk [tilespmem:v50+s13+$0x0], $0xffff  }
0x14c: {  	v1 =	vor.u32 v1, v3;
	v60 =	vld.idx.msk [tilespmem:v2+s12+$0x0], $0xffff;
	v61 =	vmul.f32 v53, v51;
	v3 =	vadd.f32 v58, v4  }
0x14d: {  	v2 =	vld.idx.msk [tilespmem:v2+s13+$0x0], $0xffff  }
0x14e: {  	v62 =	vmul.f32 v56, v54;
	v3 =	vadd.f32 v61, v3;
	_ =	sdelay $0x1  }
0x14f: {  	v63 =	vmul.f32 v59, v57;
	v3 =	vadd.f32 v62, v3  }
0x150: {  	v1 =	vld.idx.msk [tilespmem:v1+s15+$0x0], $0xffff  }
0x151: {  	v2 =	vmul.f32 v2, v60;
	v3 =	vadd.f32 v63, v3;
	_ =	sdelay $0x1  }
0x152: {  	v2 =	vadd.f32 v2, v3;
	_ =	sdelay $0x1  }
0x153: {  	s18 =	sadd.s32 $0x1, s18;
	v1 =	vadd.f32 v1, v2  }
0x154: {  	p0 =	sne.s32 s18, s9;
	s19 =	sadd.s32 $0x10, s19  }
.Ltmp2:
0x155: {  	[tilespmem:s19+$0x0] =	vst v1;
	(pc) =	sbr.rel @p0 .LBB2_1-.Ltmp2, $4  }
0x156: {  	[hbm4b:s8+s1] =	stream.linear.scatter [tilespmem:s17], [sflag:$0x2], $0x200, $0x38;
	[tilespmem:$0xA800] =	vst v63  }
0x157: {  	_ =	swait.ge [sflag:s10], $0x200  }
0x158: {  	[sflag:s10] =	ssyncset.done $0x0  }
0x159: {  	[sflag:s10] =	ssyncadd.s32 $0xFFFFFE00  }
0x15a: {  	_ =	sfence.sel $0x180000  }
0x15b: {  	[bflag:$0x0] =	sbarrier.arrive $0xFFFF  }
0x15c: {  	p0 =	sne.s32 s2, $0x0;
	_ =	strace $0x90000047  }
0x15d: {  	s0 =	sadd.s32 @!p0 $0x100000, s0;
	[bflag:$0x2] =	sbarrier.arrive $0xFFFF  }
0x15e: {  	[sflag:s0] =	ssyncadd.tile.s32 @!p0 $0x1;
	_ =	shalt  }
.Lfunc_end2:
_tile_overlayer_lowered:
.L_overlay_start_2:
0x15f: {  	(tag) =	ssettag $0x2  }
0x160: {  	s0 =	rddreg [dreg:$0x0];
	s2 =	stileid.u32  }
0x161: {  	s1 =	rddreg [dreg:$0x1];
	p0 =	sne.s32 s2, $0x0  }
0x162: {  	s3 =	rddreg [dreg:$0x2];
	[bflag:$0x3] =	sbarrier.arrive $0xFFFF;
	s2 =	simm.s32 @!p0 $0x1C02  }
0x163: {  	[timem:s3], [sflag:s2] =	dma.local @!p0 [hbm:s0], s1  }
0x164: {  	s0 =	simm.s32 @!p0 $0x2  }
0x165: {  	_ =	swait.ge @!p0 [sflag:s0], s1  }
0x166: {  	s1 =	ssub.s32 @!p0 $0x0, s1;
	[sflag:s0] =	ssyncset.done @!p0 $0x0  }
0x167: {  	[sflag:s0] =	ssyncadd.s32 @!p0 s1  }
0x168: {  	[bflag:$0x3] =	sbarrier.arrive $0xFFFF  }
0x169: {  	_ =	shalt  }

</sc_bundles>
